<compile_context>
chip_gen: v7x
topology: tpu7x:2x2x1
jax: 0.10.2.dev20260603
libtpu: 0.0.44.dev20260713+nightly
codegen_flags: <defaults>
</compile_context>

<pallas_src>
import functools

import jax
import jax.numpy as jnp
from jax import lax
from jax.experimental import pallas as pl
from jax.experimental.pallas import tpu as pltpu
from jax.experimental.pallas import tpu_sc as plsc

N_NODES = 10000
N_EDGES = 320000
D = 128


_NW = 32


@functools.cache
def _make_sc_gather(n_edges, ch):
    per_w = n_edges // _NW
    n_ch = per_w // ch
    mesh = plsc.VectorSubcoreMesh(core_axis_name="c", subcore_axis_name="s")
    n_pairs = (n_ch - 1) // 2

    @functools.partial(
        pl.kernel,
        mesh=mesh,
        out_type=jax.ShapeDtypeStruct((n_edges, D), jnp.float32),
        scratch_types=[
            pltpu.VMEM((n_ch, ch), jnp.int32),
            pltpu.VMEM((ch, D), jnp.float32),
            pltpu.VMEM((ch, D), jnp.float32),
            pltpu.SemaphoreType.DMA,
            pltpu.SemaphoreType.DMA,
            pltpu.SemaphoreType.DMA,
            pltpu.SemaphoreType.DMA,
        ],
    )
    def _sc_gather(table_hbm, idx_hbm, out_hbm, idx_v, rows0, rows1,
                   gs0, gs1, os0, os1):
        _CH = ch
        wid = lax.axis_index("s") * 2 + lax.axis_index("c")
        base = wid * per_w
        pltpu.sync_copy(idx_hbm.at[wid], idx_v)

        def g_start(i, buf, sem):
            pltpu.async_copy(table_hbm.at[idx_v.at[i]], buf, sem)

        def g_wait(buf, sem):
            pltpu.make_async_copy(table_hbm.at[idx_v.at[0]], buf, sem).wait()

        def o_start(i, buf, sem):
            pltpu.async_copy(buf, out_hbm.at[pl.ds(base + i * _CH, _CH)], sem)

        def o_wait(buf, sem):
            pltpu.make_async_copy(buf, out_hbm.at[pl.ds(base, _CH)], sem).wait()

        g_start(0, rows0, gs0)
        g_wait(rows0, gs0)
        o_start(0, rows0, os0)
        g_start(1, rows1, gs1)

        def body(g, carry):
            i1 = 2 * g + 1
            g_wait(rows1, gs1)
            o_start(i1, rows1, os1)
            o_wait(rows0, os0)
            g_start(i1 + 1, rows0, gs0)
            g_wait(rows0, gs0)
            o_start(i1 + 1, rows0, os0)
            o_wait(rows1, os1)
            @pl.when(g < n_pairs - 1)
            def _():
                g_start(i1 + 2, rows1, gs1)
            return carry

        lax.fori_loop(0, n_pairs, body, 0, unroll=False)
        o_wait(rows0, os0)

    return _sc_gather



_BLK = 6400
_N_SLICES = 2


def _tc_body(e_ref, s_ref, m1_ref, c1l_ref, g1v_ref, sa_ref, sb_ref,
             ws_ref, j_ref, g2_ref, b2_ref, cst_ref, *rest_refs):
    out_ref = rest_refs[-1]
    f32 = jnp.float32
    e = e_ref[...]
    s = s_ref[...]
    m1 = jnp.dot(e, m1_ref[...], preferred_element_type=f32)
    yc = m1[:, :D] + c1l_ref[...]
    t = m1[:, D:D + 8]
    sq = yc * yc
    v1 = jnp.dot(sq, ws_ref[...], preferred_element_type=f32)
    ssc = jnp.dot(s, ws_ref[...], preferred_element_type=f32)

    T = jnp.concatenate([t, ssc, v1], axis=1).T
    c = cst_ref[...]
    mu1 = T[0:1] + c[0, 0]
    is1 = lax.rsqrt(T[19:20] + 1e-5)
    s0 = T[8:9] + c[0, 10]
    s1 = is1 * (T[1:2] + c[0, 1] - mu1 * c[0, 2]) + c[0, 3]
    hu = is1 * (T[2:3] + c[0, 4] - mu1 * c[0, 5]) + c[0, 6]
    mhe = is1 * (T[3:4] + c[0, 7] - mu1 * c[0, 8]) + c[0, 9]
    l0 = jnp.where(s0 >= 0, s0, 0.01 * s0)
    l1 = jnp.where(s1 >= 0, s1, 0.01 * s1)
    a1 = 1.0 / (1.0 + jnp.exp(l0 - l1))
    a0 = 1.0 - a1
    bl = a0 * T[9:10] + a1 * hu + T[10:11]
    beta = 1.0 / (1.0 + jnp.exp(-bl))
    c2 = (1.0 - beta) * a1
    c1 = 1.0 - c2
    d2 = c2 * is1
    mu2 = c1 * T[11:12] + c2 * mhe
    coef = jnp.concatenate([c1, d2, c2, mu2, mu2, mu2, mu2, mu2], axis=0).T

    ca = jnp.dot(coef, sa_ref[...], preferred_element_type=f32)
    cb = jnp.dot(coef, sb_ref[...], preferred_element_type=f32)
    z = yc * g1v_ref[...]
    hc = ca[:, :D] * s + ca[:, D:] * z + cb
    sq2 = hc * hc
    var2 = jnp.dot(sq2, j_ref[...], preferred_element_type=f32)
    o = hc * (lax.rsqrt(var2 + 1e-5) * g2_ref[...]) + b2_ref[...]
    out_ref[...] = jnp.maximum(o, 0.0)


def _tc_dense_sliced(edge_embedding, srch_slices, prep):
    n_blk = N_EDGES // _N_SLICES // _BLK
    full = pl.BlockSpec((1, D), lambda i: (0, 0))

    def specs(blk_off):
        return [
            pl.BlockSpec((_BLK, 16), lambda i, o=blk_off: (i + o, 0)),
            pl.BlockSpec((_BLK, D), lambda i: (i, 0)),
            pl.BlockSpec((16, D + 8), lambda i: (0, 0)),
            full, full,
            pl.BlockSpec((8, 2 * D), lambda i: (0, 0)),
            pl.BlockSpec((8, D), lambda i: (0, 0)),
            pl.BlockSpec((D, 8), lambda i: (0, 0)),
            pl.BlockSpec((D, D), lambda i: (0, 0)),
            full, full,
            pl.BlockSpec((1, 16), lambda i: (0, 0)),
        ]

    out_shape = jax.ShapeDtypeStruct((N_EDGES, D), jnp.float32)
    out = None
    for k, srch in enumerate(srch_slices):
        off = k * n_blk
        extra_in = [] if out is None else [out]
        extra_spec = [] if out is None else [pl.BlockSpec(memory_space=pl.ANY)]
        alias = {} if out is None else {12: 0}
        out = pl.pallas_call(
            _tc_body,
            grid=(n_blk,),
            in_specs=specs(off) + extra_spec,
            out_specs=pl.BlockSpec((_BLK, D), lambda i, o=off: (i + o, 0)),
            out_shape=out_shape,
            input_output_aliases=alias,
        )(edge_embedding, srch, *prep, *extra_in)
    return out



def _prep_params(lin1_W, lin1_b, ln1_g, ln1_b, attn_W, attn_b, beta_W,
                 lne_g, lne_b):
    f32 = jnp.float32
    w = attn_W[:, 0].astype(f32)
    ab = attn_b[0].astype(f32)
    bw = beta_W[:, 0].astype(f32)
    u = bw[:D] + bw[2 * D:]
    v = bw[D:2 * D] - bw[2 * D:]
    W1, b1, g1, bb1 = lin1_W, lin1_b, ln1_g, ln1_b

    w1_rowmean = jnp.mean(W1, axis=1, keepdims=True)
    mb1 = jnp.mean(b1)
    g1w = g1 * w
    g1u = g1 * u
    g1m = g1 / float(D)
    extra = jnp.stack(
        [w1_rowmean[:, 0], W1 @ g1w, W1 @ g1u, W1 @ g1m], axis=1)
    m1 = jnp.concatenate(
        [W1 - w1_rowmean, extra, jnp.zeros((16, 4), f32)], axis=1)
    c1l = (b1 - mb1).reshape(1, D)

    ones_d = jnp.full((D,), 1.0 / D, f32)
    ws = jnp.stack([w, u, v, ones_d], axis=1)
    ws = jnp.concatenate([ws, jnp.zeros((D, 4), f32)], axis=1)
    j = jnp.full((D, D), 1.0 / D, f32)

    one_row = jnp.ones((1, D), f32)
    zero_row = jnp.zeros((1, D), f32)
    sa = jnp.concatenate([
        jnp.concatenate([one_row, zero_row], axis=1),
        jnp.concatenate([zero_row, one_row], axis=1),
        jnp.zeros((6, 2 * D), f32),
    ], axis=0)
    sb = jnp.concatenate([
        zero_row, zero_row,
        bb1.reshape(1, D),
        -one_row,
        jnp.zeros((4, D), f32),
    ], axis=0)

    cst = jnp.stack([
        mb1,
        jnp.dot(b1, g1w),
        jnp.sum(g1w),
        jnp.dot(bb1, w) + ab,
        jnp.dot(b1, g1u),
        jnp.sum(g1u),
        jnp.dot(bb1, u),
        jnp.dot(b1, g1m),
        jnp.mean(g1),
        jnp.mean(bb1),
        ab,
        0.0, 0.0, 0.0, 0.0, 0.0,
    ]).reshape(1, 16)

    r1 = lambda x: x.reshape(1, D)
    return (m1, c1l, r1(g1), sa, sb, ws, j, r1(lne_g), r1(lne_b), cst)


def kernel(atom_embedding, edge_embedding, edge_index,
           lin1_W, lin1_b, ln1_g, ln1_b,
           attn_W, attn_b, beta_W, lne_g, lne_b):
    sl = N_EDGES // _N_SLICES
    ch = 40
    n_ch = sl // _NW // ch
    src = edge_index[0].astype(jnp.int32)
    gather = _make_sc_gather(sl, ch)
    srch = [gather(atom_embedding, src[k * sl:(k + 1) * sl]
                   .reshape(_NW, n_ch, ch)) for k in range(_N_SLICES)]
    prep = _prep_params(lin1_W, lin1_b, ln1_g, ln1_b, attn_W, attn_b,
                        beta_W, lne_g, lne_b)
    return _tc_dense_sliced(edge_embedding, srch, prep)

# --- scband reference (transcript-rebuilt; emitter-appended) ---
"""Pipeline reference for scband-bind-41532333752518 (READ-ONLY COPY).

The authoritative reference and input builder live on the scoring server;
editing this copy changes nothing except your own understanding.
"""

import jax, jax.numpy as jnp
import numpy as np

NODE_DIM = 128
EDGE_DIM = 16
N_NODES = 10000
N_EDGES = 320000


def _layer_norm(x, gamma, beta, eps=1e-5):
    mu = jnp.mean(x, axis=-1, keepdims=True)
    var = jnp.var(x, axis=-1, keepdims=True)
    return (x - mu) / jnp.sqrt(var + eps) * gamma + beta


def setup_inputs(seed: int = 0) -> dict:
    key = jax.random.key(seed)
    ks = jax.random.split(key, 10)
    atom_embedding = jax.random.normal(ks[0], (N_NODES, NODE_DIM), dtype=jnp.float32)
    edge_embedding = jax.random.normal(ks[1], (N_EDGES, EDGE_DIM), dtype=jnp.float32)
    edge_index = jax.random.randint(ks[2], (2, N_EDGES), 0, N_NODES, dtype=jnp.int64)
    s1 = 1.0 / np.sqrt(EDGE_DIM)
    s2 = 1.0 / np.sqrt(NODE_DIM)
    s3 = 1.0 / np.sqrt(3 * NODE_DIM)
    return {
        "atom_embedding": atom_embedding,
        "edge_embedding": edge_embedding,
        "edge_index": edge_index,
        "lin1_W": jax.random.uniform(ks[3], (EDGE_DIM, NODE_DIM), jnp.float32, -s1, s1),
        "lin1_b": jax.random.uniform(ks[4], (NODE_DIM,), jnp.float32, -s1, s1),
        "ln1_g": jnp.ones((NODE_DIM,), jnp.float32),
        "ln1_b": jnp.zeros((NODE_DIM,), jnp.float32),
        "attn_W": jax.random.uniform(ks[5], (NODE_DIM, 1), jnp.float32, -s2, s2),
        "attn_b": jax.random.uniform(ks[6], (1,), jnp.float32, -s2, s2),
        "beta_W": jax.random.uniform(ks[7], (3 * NODE_DIM, 1), jnp.float32, -s3, s3),
        "lne_g": jnp.ones((NODE_DIM,), jnp.float32),
        "lne_b": jnp.zeros((NODE_DIM,), jnp.float32),
    }


def reference(atom_embedding, edge_embedding, edge_index,
              lin1_W, lin1_b, ln1_g, ln1_b,
              attn_W, attn_b, beta_W, lne_g, lne_b):
    # Atom2BondLayer.forward (feat_drop = 0.0 -> identity)
    src = edge_index[0]
    # g.edata['h'] = lnorm_lin1(lin1(edge_fea))
    h_e = _layer_norm(edge_embedding @ lin1_W + lin1_b, ln1_g, ln1_b)  # [E, d]
    src_h = jnp.take(atom_embedding, src, axis=0)  # gather src node feats [E, d]
    # src_avg_edge: stack src feat and edge feat along a 'head' axis of 2
    mid_cat = jnp.stack((src_h, h_e), axis=1)  # [E, 2, d]
    mid_attn = jnp.squeeze(mid_cat @ attn_W + attn_b, axis=-1)  # [E, 2]
    h_atten = jax.nn.softmax(jax.nn.leaky_relu(mid_attn, negative_slope=0.01), axis=1)
    h_attn_fea = jnp.einsum('nhd,nh->nd', mid_cat, h_atten)  # [E, d]
    beta = jax.nn.sigmoid(
        jnp.concatenate([h_attn_fea, src_h, h_attn_fea - src_h], axis=-1) @ beta_W
    )  # [E, 1]
    h = beta * src_h + (1.0 - beta) * h_attn_fea
    out = jax.nn.relu(_layer_norm(h, lne_g, lne_b))
    return out

if __name__ == "__main__":
    import jax
    _d = setup_inputs()
    print(jax.jit(kernel)(*tuple(_d.values())))

</pallas_src>

<mosaic_0001>
#map = affine_map<(d0, d1) -> (0, 0)>
#map1 = affine_map<(d0, d1) -> (0, 0, 0)>
module attributes {stable_mosaic.version = 14 : i64} {
  func.func @_sc_gather(%arg0: i32, %arg1: i32, %arg2: memref<10000x128xf32, #tpu.memory_space<hbm>>, %arg3: memref<32x125x40xi32, #tpu.memory_space<hbm>>, %arg4: memref<160000x128xf32, #tpu.memory_space<hbm>>, %arg5: memref<125x40xi32, #tpu.memory_space<vmem>>, %arg6: memref<40x128xf32, #tpu.memory_space<vmem>>, %arg7: memref<40x128xf32, #tpu.memory_space<vmem>>, %arg8: memref<!tpu.dma_semaphore, #tpu.memory_space<semaphore_mem>>, %arg9: memref<!tpu.dma_semaphore, #tpu.memory_space<semaphore_mem>>, %arg10: memref<!tpu.dma_semaphore, #tpu.memory_space<semaphore_mem>>, %arg11: memref<!tpu.dma_semaphore, #tpu.memory_space<semaphore_mem>>) attributes {dimension_semantics = [#tpu.dimension_semantics<core_parallel>, #tpu.dimension_semantics<subcore_parallel>], iteration_bounds = array<i64: 2, 16>, scalar_prefetch = 0 : i64, scratch_operands = 7 : i64, tpu.core_type = #tpu.core_type<sc_vector_subcore>, window_params = [{transform_indices = #map}, {transform_indices = #map1}, {transform_indices = #map}]} {
    %mul3A = arith.constant 2 : i32
    %mul3A_0 = arith.muli %arg1, %mul3A : i32
    %add3A = arith.addi %mul3A_0, %arg0 : i32
    %mul3A_1 = arith.constant 5000 : i32
    %mul3A_2 = arith.muli %add3A, %mul3A_1 : i32
    "tpu.region"() ({
      %run_scoped3A = tpu.sem_alloc : memref<!tpu.dma_semaphore, #tpu.memory_space<semaphore_mem>>
      %dma_start3A_37 = arith.constant 0 : i32
      %dma_start3A_38 = arith.constant 0 : i32
      %dma_start3A_39 = tpu.memref_slice %arg3[%add3A, %dma_start3A_37, %dma_start3A_38] : memref<32x125x40xi32, #tpu.memory_space<hbm>> -> memref<1x125x40xi32, #tpu.memory_space<hbm>>
      %dma_start3A_40 = tpu.memref_squeeze %dma_start3A_39 : memref<1x125x40xi32, #tpu.memory_space<hbm>> -> memref<125x40xi32, #tpu.memory_space<hbm>>
      %dma_start3A_41 = arith.constant 0 : i32
      %dma_start3A_42 = arith.constant 0 : i32
      %dma_start3A_43 = tpu.memref_slice %arg3[%add3A, %dma_start3A_41, %dma_start3A_42] : memref<32x125x40xi32, #tpu.memory_space<hbm>> -> memref<1x125x40xi32, #tpu.memory_space<hbm>>
      %dma_start3A_44 = tpu.memref_squeeze %dma_start3A_43 : memref<1x125x40xi32, #tpu.memory_space<hbm>> -> memref<125x40xi32, #tpu.memory_space<hbm>>
      tpu.enqueue_dma source(%dma_start3A_44 : memref<125x40xi32, #tpu.memory_space<hbm>>) target(%arg5 : memref<125x40xi32, #tpu.memory_space<vmem>>) target_semaphore(%run_scoped3A : memref<!tpu.dma_semaphore, #tpu.memory_space<semaphore_mem>>)
      %dma_wait3A_45 = arith.constant 0 : i32
      %dma_wait3A_46 = arith.constant 0 : i32
      %dma_wait3A_47 = tpu.memref_slice %arg3[%add3A, %dma_wait3A_45, %dma_wait3A_46] : memref<32x125x40xi32, #tpu.memory_space<hbm>> -> memref<1x125x40xi32, #tpu.memory_space<hbm>>
      %dma_wait3A_48 = tpu.memref_squeeze %dma_wait3A_47 : memref<1x125x40xi32, #tpu.memory_space<hbm>> -> memref<125x40xi32, #tpu.memory_space<hbm>>
      %dma_wait3A_49 = arith.constant 0 : i32
      %dma_wait3A_50 = arith.constant 0 : i32
      %dma_wait3A_51 = tpu.memref_slice %arg3[%add3A, %dma_wait3A_49, %dma_wait3A_50] : memref<32x125x40xi32, #tpu.memory_space<hbm>> -> memref<1x125x40xi32, #tpu.memory_space<hbm>>
      %dma_wait3A_52 = tpu.memref_squeeze %dma_wait3A_51 : memref<1x125x40xi32, #tpu.memory_space<hbm>> -> memref<125x40xi32, #tpu.memory_space<hbm>>
      tpu.wait_dma2 semaphore(%run_scoped3A : memref<!tpu.dma_semaphore, #tpu.memory_space<semaphore_mem>>) src(%dma_wait3A_52 : memref<125x40xi32, #tpu.memory_space<hbm>>) dst(%arg5 : memref<125x40xi32, #tpu.memory_space<vmem>>)
      tpu.yield
    }) : () -> ()
    %dma_start3A = arith.constant 0 : i32
    %dma_start3A_3 = arith.constant 0 : i32
    %dma_start3A_4 = tpu.memref_slice %arg5[%dma_start3A, %dma_start3A_3] : memref<125x40xi32, #tpu.memory_space<vmem>> -> memref<1x40xi32, #tpu.memory_space<vmem>>
    %dma_start3A_5 = tpu.memref_squeeze %dma_start3A_4 : memref<1x40xi32, #tpu.memory_space<vmem>> -> memref<40xi32, #tpu.memory_space<vmem>>
    %dma_start3A_6 = arith.constant 0 : i32
    %dma_start3A_7 = arith.constant 0 : i32
    %dma_start3A_8 = tpu.memref_slice %arg2[%dma_start3A_6, %dma_start3A_7] : memref<10000x128xf32, #tpu.memory_space<hbm>> -> memref<10000x128xf32, #tpu.memory_space<hbm>>
    tpu.enqueue_indirect_dma source(%dma_start3A_8 : memref<10000x128xf32, #tpu.memory_space<hbm>>) target(%arg6 : memref<40x128xf32, #tpu.memory_space<vmem>>) offsets(%dma_start3A_5 : memref<40xi32, #tpu.memory_space<vmem>>) semaphore(%arg8 : memref<!tpu.dma_semaphore, #tpu.memory_space<semaphore_mem>>)
    %dma_wait3A = arith.constant 0 : i32
    %dma_wait3A_9 = arith.constant 0 : i32
    %dma_wait3A_10 = tpu.memref_slice %arg5[%dma_wait3A, %dma_wait3A_9] : memref<125x40xi32, #tpu.memory_space<vmem>> -> memref<1x40xi32, #tpu.memory_space<vmem>>
    %dma_wait3A_11 = tpu.memref_squeeze %dma_wait3A_10 : memref<1x40xi32, #tpu.memory_space<vmem>> -> memref<40xi32, #tpu.memory_space<vmem>>
    %dma_wait3A_12 = arith.constant 0 : i32
    %dma_wait3A_13 = arith.constant 0 : i32
    %dma_wait3A_14 = tpu.memref_slice %arg2[%dma_wait3A_12, %dma_wait3A_13] : memref<10000x128xf32, #tpu.memory_space<hbm>> -> memref<10000x128xf32, #tpu.memory_space<hbm>>
    tpu.wait_indirect_dma semaphore(%arg8 : memref<!tpu.dma_semaphore, #tpu.memory_space<semaphore_mem>>) src(%dma_wait3A_14 : memref<10000x128xf32, #tpu.memory_space<hbm>>) dst(%arg6 : memref<40x128xf32, #tpu.memory_space<vmem>>)
    %add3A_15 = arith.constant 0 : i32
    %add3A_16 = arith.addi %mul3A_2, %add3A_15 : i32
    %dma_start3A_17 = arith.constant 0 : i32
    %dma_start3A_18 = tpu.memref_slice %arg4[%add3A_16, %dma_start3A_17] : memref<160000x128xf32, #tpu.memory_space<hbm>> -> memref<40x128xf32, #tpu.memory_space<hbm>>
    %dma_start3A_19 = arith.constant 0 : i32
    %dma_start3A_20 = tpu.memref_slice %arg4[%add3A_16, %dma_start3A_19] : memref<160000x128xf32, #tpu.memory_space<hbm>> -> memref<40x128xf32, #tpu.memory_space<hbm>>
    tpu.enqueue_dma source(%arg6 : memref<40x128xf32, #tpu.memory_space<vmem>>) target(%dma_start3A_20 : memref<40x128xf32, #tpu.memory_space<hbm>>) target_semaphore(%arg10 : memref<!tpu.dma_semaphore, #tpu.memory_space<semaphore_mem>>)
    %dma_start3A_21 = arith.constant 1 : i32
    %dma_start3A_22 = arith.constant 0 : i32
    %dma_start3A_23 = tpu.memref_slice %arg5[%dma_start3A_21, %dma_start3A_22] : memref<125x40xi32, #tpu.memory_space<vmem>> -> memref<1x40xi32, #tpu.memory_space<vmem>>
    %dma_start3A_24 = tpu.memref_squeeze %dma_start3A_23 : memref<1x40xi32, #tpu.memory_space<vmem>> -> memref<40xi32, #tpu.memory_space<vmem>>
    %dma_start3A_25 = arith.constant 0 : i32
    %dma_start3A_26 = arith.constant 0 : i32
    %dma_start3A_27 = tpu.memref_slice %arg2[%dma_start3A_25, %dma_start3A_26] : memref<10000x128xf32, #tpu.memory_space<hbm>> -> memref<10000x128xf32, #tpu.memory_space<hbm>>
    tpu.enqueue_indirect_dma source(%dma_start3A_27 : memref<10000x128xf32, #tpu.memory_space<hbm>>) target(%arg7 : memref<40x128xf32, #tpu.memory_space<vmem>>) offsets(%dma_start3A_24 : memref<40xi32, #tpu.memory_space<vmem>>) semaphore(%arg9 : memref<!tpu.dma_semaphore, #tpu.memory_space<semaphore_mem>>)
    %scan3A = arith.constant 0 : i32
    %scan3A_28 = arith.constant 0 : i32
    %scan3A_29 = arith.constant 62 : i32
    %scan3A_30 = arith.addi %scan3A_28, %scan3A_29 : i32
    %scan3A_31 = arith.constant 1 : i32
    scf.for %scan3A_37 = %scan3A_28 to %scan3A_30 step %scan3A_31  : i32 {
      %mul3A_38 = arith.constant 2 : i32
      %mul3A_39 = arith.muli %mul3A_38, %scan3A_37 : i32
      %add3A_40 = arith.constant 1 : i32
      %add3A_41 = arith.addi %mul3A_39, %add3A_40 : i32
      %dma_wait3A_42 = arith.constant 0 : i32
      %dma_wait3A_43 = arith.constant 0 : i32
      %dma_wait3A_44 = tpu.memref_slice %arg5[%dma_wait3A_42, %dma_wait3A_43] : memref<125x40xi32, #tpu.memory_space<vmem>> -> memref<1x40xi32, #tpu.memory_space<vmem>>
      %dma_wait3A_45 = tpu.memref_squeeze %dma_wait3A_44 : memref<1x40xi32, #tpu.memory_space<vmem>> -> memref<40xi32, #tpu.memory_space<vmem>>
      %dma_wait3A_46 = arith.constant 0 : i32
      %dma_wait3A_47 = arith.constant 0 : i32
      %dma_wait3A_48 = tpu.memref_slice %arg2[%dma_wait3A_46, %dma_wait3A_47] : memref<10000x128xf32, #tpu.memory_space<hbm>> -> memref<10000x128xf32, #tpu.memory_space<hbm>>
      tpu.wait_indirect_dma semaphore(%arg9 : memref<!tpu.dma_semaphore, #tpu.memory_space<semaphore_mem>>) src(%dma_wait3A_48 : memref<10000x128xf32, #tpu.memory_space<hbm>>) dst(%arg7 : memref<40x128xf32, #tpu.memory_space<vmem>>)
      %mul3A_49 = arith.constant 40 : i32
      %mul3A_50 = arith.muli %add3A_41, %mul3A_49 : i32
      %add3A_51 = arith.addi %mul3A_2, %mul3A_50 : i32
      %dma_start3A_52 = arith.constant 0 : i32
      %dma_start3A_53 = tpu.memref_slice %arg4[%add3A_51, %dma_start3A_52] : memref<160000x128xf32, #tpu.memory_space<hbm>> -> memref<40x128xf32, #tpu.memory_space<hbm>>
      %dma_start3A_54 = arith.constant 0 : i32
      %dma_start3A_55 = tpu.memref_slice %arg4[%add3A_51, %dma_start3A_54] : memref<160000x128xf32, #tpu.memory_space<hbm>> -> memref<40x128xf32, #tpu.memory_space<hbm>>
      tpu.enqueue_dma source(%arg7 : memref<40x128xf32, #tpu.memory_space<vmem>>) target(%dma_start3A_55 : memref<40x128xf32, #tpu.memory_space<hbm>>) target_semaphore(%arg11 : memref<!tpu.dma_semaphore, #tpu.memory_space<semaphore_mem>>)
      %dma_wait3A_56 = arith.constant 0 : i32
      %dma_wait3A_57 = tpu.memref_slice %arg4[%mul3A_2, %dma_wait3A_56] : memref<160000x128xf32, #tpu.memory_space<hbm>> -> memref<40x128xf32, #tpu.memory_space<hbm>>
      %dma_wait3A_58 = arith.constant 0 : i32
      %dma_wait3A_59 = tpu.memref_slice %arg4[%mul3A_2, %dma_wait3A_58] : memref<160000x128xf32, #tpu.memory_space<hbm>> -> memref<40x128xf32, #tpu.memory_space<hbm>>
      tpu.wait_dma2 semaphore(%arg10 : memref<!tpu.dma_semaphore, #tpu.memory_space<semaphore_mem>>) src(%arg6 : memref<40x128xf32, #tpu.memory_space<vmem>>) dst(%dma_wait3A_59 : memref<40x128xf32, #tpu.memory_space<hbm>>)
      %add3A_60 = arith.constant 1 : i32
      %add3A_61 = arith.addi %add3A_41, %add3A_60 : i32
      %dma_start3A_62 = arith.constant 0 : i32
      %dma_start3A_63 = tpu.memref_slice %arg5[%add3A_61, %dma_start3A_62] : memref<125x40xi32, #tpu.memory_space<vmem>> -> memref<1x40xi32, #tpu.memory_space<vmem>>
      %dma_start3A_64 = tpu.memref_squeeze %dma_start3A_63 : memref<1x40xi32, #tpu.memory_space<vmem>> -> memref<40xi32, #tpu.memory_space<vmem>>
      %dma_start3A_65 = arith.constant 0 : i32
      %dma_start3A_66 = arith.constant 0 : i32
      %dma_start3A_67 = tpu.memref_slice %arg2[%dma_start3A_65, %dma_start3A_66] : memref<10000x128xf32, #tpu.memory_space<hbm>> -> memref<10000x128xf32, #tpu.memory_space<hbm>>
      tpu.enqueue_indirect_dma source(%dma_start3A_67 : memref<10000x128xf32, #tpu.memory_space<hbm>>) target(%arg6 : memref<40x128xf32, #tpu.memory_space<vmem>>) offsets(%dma_start3A_64 : memref<40xi32, #tpu.memory_space<vmem>>) semaphore(%arg8 : memref<!tpu.dma_semaphore, #tpu.memory_space<semaphore_mem>>)
      %dma_wait3A_68 = arith.constant 0 : i32
      %dma_wait3A_69 = arith.constant 0 : i32
      %dma_wait3A_70 = tpu.memref_slice %arg5[%dma_wait3A_68, %dma_wait3A_69] : memref<125x40xi32, #tpu.memory_space<vmem>> -> memref<1x40xi32, #tpu.memory_space<vmem>>
      %dma_wait3A_71 = tpu.memref_squeeze %dma_wait3A_70 : memref<1x40xi32, #tpu.memory_space<vmem>> -> memref<40xi32, #tpu.memory_space<vmem>>
      %dma_wait3A_72 = arith.constant 0 : i32
      %dma_wait3A_73 = arith.constant 0 : i32
      %dma_wait3A_74 = tpu.memref_slice %arg2[%dma_wait3A_72, %dma_wait3A_73] : memref<10000x128xf32, #tpu.memory_space<hbm>> -> memref<10000x128xf32, #tpu.memory_space<hbm>>
      tpu.wait_indirect_dma semaphore(%arg8 : memref<!tpu.dma_semaphore, #tpu.memory_space<semaphore_mem>>) src(%dma_wait3A_74 : memref<10000x128xf32, #tpu.memory_space<hbm>>) dst(%arg6 : memref<40x128xf32, #tpu.memory_space<vmem>>)
      %add3A_75 = arith.constant 1 : i32
      %add3A_76 = arith.addi %add3A_41, %add3A_75 : i32
      %mul3A_77 = arith.constant 40 : i32
      %mul3A_78 = arith.muli %add3A_76, %mul3A_77 : i32
      %add3A_79 = arith.addi %mul3A_2, %mul3A_78 : i32
      %dma_start3A_80 = arith.constant 0 : i32
      %dma_start3A_81 = tpu.memref_slice %arg4[%add3A_79, %dma_start3A_80] : memref<160000x128xf32, #tpu.memory_space<hbm>> -> memref<40x128xf32, #tpu.memory_space<hbm>>
      %dma_start3A_82 = arith.constant 0 : i32
      %dma_start3A_83 = tpu.memref_slice %arg4[%add3A_79, %dma_start3A_82] : memref<160000x128xf32, #tpu.memory_space<hbm>> -> memref<40x128xf32, #tpu.memory_space<hbm>>
      tpu.enqueue_dma source(%arg6 : memref<40x128xf32, #tpu.memory_space<vmem>>) target(%dma_start3A_83 : memref<40x128xf32, #tpu.memory_space<hbm>>) target_semaphore(%arg10 : memref<!tpu.dma_semaphore, #tpu.memory_space<semaphore_mem>>)
      %dma_wait3A_84 = arith.constant 0 : i32
      %dma_wait3A_85 = tpu.memref_slice %arg4[%mul3A_2, %dma_wait3A_84] : memref<160000x128xf32, #tpu.memory_space<hbm>> -> memref<40x128xf32, #tpu.memory_space<hbm>>
      %dma_wait3A_86 = arith.constant 0 : i32
      %dma_wait3A_87 = tpu.memref_slice %arg4[%mul3A_2, %dma_wait3A_86] : memref<160000x128xf32, #tpu.memory_space<hbm>> -> memref<40x128xf32, #tpu.memory_space<hbm>>
      tpu.wait_dma2 semaphore(%arg11 : memref<!tpu.dma_semaphore, #tpu.memory_space<semaphore_mem>>) src(%arg7 : memref<40x128xf32, #tpu.memory_space<vmem>>) dst(%dma_wait3A_87 : memref<40x128xf32, #tpu.memory_space<hbm>>)
      %lt3A = arith.constant 61 : i32
      %lt3A_88 = arith.cmpi slt, %scan3A_37, %lt3A : i32
      %convert_element_type3A = arith.extui %lt3A_88 : i1 to i32
      %cond3A = arith.constant 0 : i32
      %cond3A_89 = arith.cmpi ne, %convert_element_type3A, %cond3A : i32
      scf.if %cond3A_89 {
        %add3A_90 = arith.constant 2 : i32
        %add3A_91 = arith.addi %add3A_41, %add3A_90 : i32
        %dma_start3A_92 = arith.constant 0 : i32
        %dma_start3A_93 = tpu.memref_slice %arg5[%add3A_91, %dma_start3A_92] : memref<125x40xi32, #tpu.memory_space<vmem>> -> memref<1x40xi32, #tpu.memory_space<vmem>>
        %dma_start3A_94 = tpu.memref_squeeze %dma_start3A_93 : memref<1x40xi32, #tpu.memory_space<vmem>> -> memref<40xi32, #tpu.memory_space<vmem>>
        %dma_start3A_95 = arith.constant 0 : i32
        %dma_start3A_96 = arith.constant 0 : i32
        %dma_start3A_97 = tpu.memref_slice %arg2[%dma_start3A_95, %dma_start3A_96] : memref<10000x128xf32, #tpu.memory_space<hbm>> -> memref<10000x128xf32, #tpu.memory_space<hbm>>
        tpu.enqueue_indirect_dma source(%dma_start3A_97 : memref<10000x128xf32, #tpu.memory_space<hbm>>) target(%arg7 : memref<40x128xf32, #tpu.memory_space<vmem>>) offsets(%dma_start3A_94 : memref<40xi32, #tpu.memory_space<vmem>>) semaphore(%arg9 : memref<!tpu.dma_semaphore, #tpu.memory_space<semaphore_mem>>)
      } else {
      }
    }
    %scan3A_32 = arith.constant 62 : i32
    %dma_wait3A_33 = arith.constant 0 : i32
    %dma_wait3A_34 = tpu.memref_slice %arg4[%mul3A_2, %dma_wait3A_33] : memref<160000x128xf32, #tpu.memory_space<hbm>> -> memref<40x128xf32, #tpu.memory_space<hbm>>
    %dma_wait3A_35 = arith.constant 0 : i32
    %dma_wait3A_36 = tpu.memref_slice %arg4[%mul3A_2, %dma_wait3A_35] : memref<160000x128xf32, #tpu.memory_space<hbm>> -> memref<40x128xf32, #tpu.memory_space<hbm>>
    tpu.wait_dma2 semaphore(%arg10 : memref<!tpu.dma_semaphore, #tpu.memory_space<semaphore_mem>>) src(%arg6 : memref<40x128xf32, #tpu.memory_space<vmem>>) dst(%dma_wait3A_36 : memref<40x128xf32, #tpu.memory_space<hbm>>)
    return
  }
}

#map = affine_map<(d0, d1) -> (0, 0)>
#map1 = affine_map<(d0, d1) -> (0, 0, 0)>
module attributes {stable_mosaic.version = 14 : i64} {
  func.func @_sc_gather(%arg0: i32, %arg1: i32, %arg2: memref<10000x128xf32, #tpu.memory_space<hbm>>, %arg3: memref<32x125x40xi32, #tpu.memory_space<hbm>>, %arg4: memref<160000x128xf32, #tpu.memory_space<hbm>>, %arg5: memref<125x40xi32, #tpu.memory_space<vmem>>, %arg6: memref<40x128xf32, #tpu.memory_space<vmem>>, %arg7: memref<40x128xf32, #tpu.memory_space<vmem>>, %arg8: memref<!tpu.dma_semaphore, #tpu.memory_space<semaphore_mem>>, %arg9: memref<!tpu.dma_semaphore, #tpu.memory_space<semaphore_mem>>, %arg10: memref<!tpu.dma_semaphore, #tpu.memory_space<semaphore_mem>>, %arg11: memref<!tpu.dma_semaphore, #tpu.memory_space<semaphore_mem>>) attributes {dimension_semantics = [#tpu.dimension_semantics<core_parallel>, #tpu.dimension_semantics<subcore_parallel>], iteration_bounds = array<i64: 2, 16>, scalar_prefetch = 0 : i64, scratch_operands = 7 : i64, tpu.core_type = #tpu.core_type<sc_vector_subcore>, window_params = [{transform_indices = #map}, {transform_indices = #map1}, {transform_indices = #map}]} {
    %mul3A = arith.constant 2 : i32
    %mul3A_0 = arith.muli %arg1, %mul3A : i32
    %add3A = arith.addi %mul3A_0, %arg0 : i32
    %mul3A_1 = arith.constant 5000 : i32
    %mul3A_2 = arith.muli %add3A, %mul3A_1 : i32
    "tpu.region"() ({
      %run_scoped3A = tpu.sem_alloc : memref<!tpu.dma_semaphore, #tpu.memory_space<semaphore_mem>>
      %dma_start3A_37 = arith.constant 0 : i32
      %dma_start3A_38 = arith.constant 0 : i32
      %dma_start3A_39 = tpu.memref_slice %arg3[%add3A, %dma_start3A_37, %dma_start3A_38] : memref<32x125x40xi32, #tpu.memory_space<hbm>> -> memref<1x125x40xi32, #tpu.memory_space<hbm>>
      %dma_start3A_40 = tpu.memref_squeeze %dma_start3A_39 : memref<1x125x40xi32, #tpu.memory_space<hbm>> -> memref<125x40xi32, #tpu.memory_space<hbm>>
      %dma_start3A_41 = arith.constant 0 : i32
      %dma_start3A_42 = arith.constant 0 : i32
      %dma_start3A_43 = tpu.memref_slice %arg3[%add3A, %dma_start3A_41, %dma_start3A_42] : memref<32x125x40xi32, #tpu.memory_space<hbm>> -> memref<1x125x40xi32, #tpu.memory_space<hbm>>
      %dma_start3A_44 = tpu.memref_squeeze %dma_start3A_43 : memref<1x125x40xi32, #tpu.memory_space<hbm>> -> memref<125x40xi32, #tpu.memory_space<hbm>>
      tpu.enqueue_dma source(%dma_start3A_44 : memref<125x40xi32, #tpu.memory_space<hbm>>) target(%arg5 : memref<125x40xi32, #tpu.memory_space<vmem>>) target_semaphore(%run_scoped3A : memref<!tpu.dma_semaphore, #tpu.memory_space<semaphore_mem>>)
      %dma_wait3A_45 = arith.constant 0 : i32
      %dma_wait3A_46 = arith.constant 0 : i32
      %dma_wait3A_47 = tpu.memref_slice %arg3[%add3A, %dma_wait3A_45, %dma_wait3A_46] : memref<32x125x40xi32, #tpu.memory_space<hbm>> -> memref<1x125x40xi32, #tpu.memory_space<hbm>>
      %dma_wait3A_48 = tpu.memref_squeeze %dma_wait3A_47 : memref<1x125x40xi32, #tpu.memory_space<hbm>> -> memref<125x40xi32, #tpu.memory_space<hbm>>
      %dma_wait3A_49 = arith.constant 0 : i32
      %dma_wait3A_50 = arith.constant 0 : i32
      %dma_wait3A_51 = tpu.memref_slice %arg3[%add3A, %dma_wait3A_49, %dma_wait3A_50] : memref<32x125x40xi32, #tpu.memory_space<hbm>> -> memref<1x125x40xi32, #tpu.memory_space<hbm>>
      %dma_wait3A_52 = tpu.memref_squeeze %dma_wait3A_51 : memref<1x125x40xi32, #tpu.memory_space<hbm>> -> memref<125x40xi32, #tpu.memory_space<hbm>>
      tpu.wait_dma2 semaphore(%run_scoped3A : memref<!tpu.dma_semaphore, #tpu.memory_space<semaphore_mem>>) src(%dma_wait3A_52 : memref<125x40xi32, #tpu.memory_space<hbm>>) dst(%arg5 : memref<125x40xi32, #tpu.memory_space<vmem>>)
      tpu.yield
    }) : () -> ()
    %dma_start3A = arith.constant 0 : i32
    %dma_start3A_3 = arith.constant 0 : i32
    %dma_start3A_4 = tpu.memref_slice %arg5[%dma_start3A, %dma_start3A_3] : memref<125x40xi32, #tpu.memory_space<vmem>> -> memref<1x40xi32, #tpu.memory_space<vmem>>
    %dma_start3A_5 = tpu.memref_squeeze %dma_start3A_4 : memref<1x40xi32, #tpu.memory_space<vmem>> -> memref<40xi32, #tpu.memory_space<vmem>>
    %dma_start3A_6 = arith.constant 0 : i32
    %dma_start3A_7 = arith.constant 0 : i32
    %dma_start3A_8 = tpu.memref_slice %arg2[%dma_start3A_6, %dma_start3A_7] : memref<10000x128xf32, #tpu.memory_space<hbm>> -> memref<10000x128xf32, #tpu.memory_space<hbm>>
    tpu.enqueue_indirect_dma source(%dma_start3A_8 : memref<10000x128xf32, #tpu.memory_space<hbm>>) target(%arg6 : memref<40x128xf32, #tpu.memory_space<vmem>>) offsets(%dma_start3A_5 : memref<40xi32, #tpu.memory_space<vmem>>) semaphore(%arg8 : memref<!tpu.dma_semaphore, #tpu.memory_space<semaphore_mem>>)
    %dma_wait3A = arith.constant 0 : i32
    %dma_wait3A_9 = arith.constant 0 : i32
    %dma_wait3A_10 = tpu.memref_slice %arg5[%dma_wait3A, %dma_wait3A_9] : memref<125x40xi32, #tpu.memory_space<vmem>> -> memref<1x40xi32, #tpu.memory_space<vmem>>
    %dma_wait3A_11 = tpu.memref_squeeze %dma_wait3A_10 : memref<1x40xi32, #tpu.memory_space<vmem>> -> memref<40xi32, #tpu.memory_space<vmem>>
    %dma_wait3A_12 = arith.constant 0 : i32
    %dma_wait3A_13 = arith.constant 0 : i32
    %dma_wait3A_14 = tpu.memref_slice %arg2[%dma_wait3A_12, %dma_wait3A_13] : memref<10000x128xf32, #tpu.memory_space<hbm>> -> memref<10000x128xf32, #tpu.memory_space<hbm>>
    tpu.wait_indirect_dma semaphore(%arg8 : memref<!tpu.dma_semaphore, #tpu.memory_space<semaphore_mem>>) src(%dma_wait3A_14 : memref<10000x128xf32, #tpu.memory_space<hbm>>) dst(%arg6 : memref<40x128xf32, #tpu.memory_space<vmem>>)
    %add3A_15 = arith.constant 0 : i32
    %add3A_16 = arith.addi %mul3A_2, %add3A_15 : i32
    %dma_start3A_17 = arith.constant 0 : i32
    %dma_start3A_18 = tpu.memref_slice %arg4[%add3A_16, %dma_start3A_17] : memref<160000x128xf32, #tpu.memory_space<hbm>> -> memref<40x128xf32, #tpu.memory_space<hbm>>
    %dma_start3A_19 = arith.constant 0 : i32
    %dma_start3A_20 = tpu.memref_slice %arg4[%add3A_16, %dma_start3A_19] : memref<160000x128xf32, #tpu.memory_space<hbm>> -> memref<40x128xf32, #tpu.memory_space<hbm>>
    tpu.enqueue_dma source(%arg6 : memref<40x128xf32, #tpu.memory_space<vmem>>) target(%dma_start3A_20 : memref<40x128xf32, #tpu.memory_space<hbm>>) target_semaphore(%arg10 : memref<!tpu.dma_semaphore, #tpu.memory_space<semaphore_mem>>)
    %dma_start3A_21 = arith.constant 1 : i32
    %dma_start3A_22 = arith.constant 0 : i32
    %dma_start3A_23 = tpu.memref_slice %arg5[%dma_start3A_21, %dma_start3A_22] : memref<125x40xi32, #tpu.memory_space<vmem>> -> memref<1x40xi32, #tpu.memory_space<vmem>>
    %dma_start3A_24 = tpu.memref_squeeze %dma_start3A_23 : memref<1x40xi32, #tpu.memory_space<vmem>> -> memref<40xi32, #tpu.memory_space<vmem>>
    %dma_start3A_25 = arith.constant 0 : i32
    %dma_start3A_26 = arith.constant 0 : i32
    %dma_start3A_27 = tpu.memref_slice %arg2[%dma_start3A_25, %dma_start3A_26] : memref<10000x128xf32, #tpu.memory_space<hbm>> -> memref<10000x128xf32, #tpu.memory_space<hbm>>
    tpu.enqueue_indirect_dma source(%dma_start3A_27 : memref<10000x128xf32, #tpu.memory_space<hbm>>) target(%arg7 : memref<40x128xf32, #tpu.memory_space<vmem>>) offsets(%dma_start3A_24 : memref<40xi32, #tpu.memory_space<vmem>>) semaphore(%arg9 : memref<!tpu.dma_semaphore, #tpu.memory_space<semaphore_mem>>)
    %scan3A = arith.constant 0 : i32
    %scan3A_28 = arith.constant 0 : i32
    %scan3A_29 = arith.constant 62 : i32
    %scan3A_30 = arith.addi %scan3A_28, %scan3A_29 : i32
    %scan3A_31 = arith.constant 1 : i32
    scf.for %scan3A_37 = %scan3A_28 to %scan3A_30 step %scan3A_31  : i32 {
      %mul3A_38 = arith.constant 2 : i32
      %mul3A_39 = arith.muli %mul3A_38, %scan3A_37 : i32
      %add3A_40 = arith.constant 1 : i32
      %add3A_41 = arith.addi %mul3A_39, %add3A_40 : i32
      %dma_wait3A_42 = arith.constant 0 : i32
      %dma_wait3A_43 = arith.constant 0 : i32
      %dma_wait3A_44 = tpu.memref_slice %arg5[%dma_wait3A_42, %dma_wait3A_43] : memref<125x40xi32, #tpu.memory_space<vmem>> -> memref<1x40xi32, #tpu.memory_space<vmem>>
      %dma_wait3A_45 = tpu.memref_squeeze %dma_wait3A_44 : memref<1x40xi32, #tpu.memory_space<vmem>> -> memref<40xi32, #tpu.memory_space<vmem>>
      %dma_wait3A_46 = arith.constant 0 : i32
      %dma_wait3A_47 = arith.constant 0 : i32
      %dma_wait3A_48 = tpu.memref_slice %arg2[%dma_wait3A_46, %dma_wait3A_47] : memref<10000x128xf32, #tpu.memory_space<hbm>> -> memref<10000x128xf32, #tpu.memory_space<hbm>>
      tpu.wait_indirect_dma semaphore(%arg9 : memref<!tpu.dma_semaphore, #tpu.memory_space<semaphore_mem>>) src(%dma_wait3A_48 : memref<10000x128xf32, #tpu.memory_space<hbm>>) dst(%arg7 : memref<40x128xf32, #tpu.memory_space<vmem>>)
      %mul3A_49 = arith.constant 40 : i32
      %mul3A_50 = arith.muli %add3A_41, %mul3A_49 : i32
      %add3A_51 = arith.addi %mul3A_2, %mul3A_50 : i32
      %dma_start3A_52 = arith.constant 0 : i32
      %dma_start3A_53 = tpu.memref_slice %arg4[%add3A_51, %dma_start3A_52] : memref<160000x128xf32, #tpu.memory_space<hbm>> -> memref<40x128xf32, #tpu.memory_space<hbm>>
      %dma_start3A_54 = arith.constant 0 : i32
      %dma_start3A_55 = tpu.memref_slice %arg4[%add3A_51, %dma_start3A_54] : memref<160000x128xf32, #tpu.memory_space<hbm>> -> memref<40x128xf32, #tpu.memory_space<hbm>>
      tpu.enqueue_dma source(%arg7 : memref<40x128xf32, #tpu.memory_space<vmem>>) target(%dma_start3A_55 : memref<40x128xf32, #tpu.memory_space<hbm>>) target_semaphore(%arg11 : memref<!tpu.dma_semaphore, #tpu.memory_space<semaphore_mem>>)
      %dma_wait3A_56 = arith.constant 0 : i32
      %dma_wait3A_57 = tpu.memref_slice %arg4[%mul3A_2, %dma_wait3A_56] : memref<160000x128xf32, #tpu.memory_space<hbm>> -> memref<40x128xf32, #tpu.memory_space<hbm>>
      %dma_wait3A_58 = arith.constant 0 : i32
      %dma_wait3A_59 = tpu.memref_slice %arg4[%mul3A_2, %dma_wait3A_58] : memref<160000x128xf32, #tpu.memory_space<hbm>> -> memref<40x128xf32, #tpu.memory_space<hbm>>
      tpu.wait_dma2 semaphore(%arg10 : memref<!tpu.dma_semaphore, #tpu.memory_space<semaphore_mem>>) src(%arg6 : memref<40x128xf32, #tpu.memory_space<vmem>>) dst(%dma_wait3A_59 : memref<40x128xf32, #tpu.memory_space<hbm>>)
      %add3A_60 = arith.constant 1 : i32
      %add3A_61 = arith.addi %add3A_41, %add3A_60 : i32
      %dma_start3A_62 = arith.constant 0 : i32
      %dma_start3A_63 = tpu.memref_slice %arg5[%add3A_61, %dma_start3A_62] : memref<125x40xi32, #tpu.memory_space<vmem>> -> memref<1x40xi32, #tpu.memory_space<vmem>>
      %dma_start3A_64 = tpu.memref_squeeze %dma_start3A_63 : memref<1x40xi32, #tpu.memory_space<vmem>> -> memref<40xi32, #tpu.memory_space<vmem>>
      %dma_start3A_65 = arith.constant 0 : i32
      %dma_start3A_66 = arith.constant 0 : i32
      %dma_start3A_67 = tpu.memref_slice %arg2[%dma_start3A_65, %dma_start3A_66] : memref<10000x128xf32, #tpu.memory_space<hbm>> -> memref<10000x128xf32, #tpu.memory_space<hbm>>
      tpu.enqueue_indirect_dma source(%dma_start3A_67 : memref<10000x128xf32, #tpu.memory_space<hbm>>) target(%arg6 : memref<40x128xf32, #tpu.memory_space<vmem>>) offsets(%dma_start3A_64 : memref<40xi32, #tpu.memory_space<vmem>>) semaphore(%arg8 : memref<!tpu.dma_semaphore, #tpu.memory_space<semaphore_mem>>)
      %dma_wait3A_68 = arith.constant 0 : i32
      %dma_wait3A_69 = arith.constant 0 : i32
      %dma_wait3A_70 = tpu.memref_slice %arg5[%dma_wait3A_68, %dma_wait3A_69] : memref<125x40xi32, #tpu.memory_space<vmem>> -> memref<1x40xi32, #tpu.memory_space<vmem>>
      %dma_wait3A_71 = tpu.memref_squeeze %dma_wait3A_70 : memref<1x40xi32, #tpu.memory_space<vmem>> -> memref<40xi32, #tpu.memory_space<vmem>>
      %dma_wait3A_72 = arith.constant 0 : i32
      %dma_wait3A_73 = arith.constant 0 : i32
      %dma_wait3A_74 = tpu.memref_slice %arg2[%dma_wait3A_72, %dma_wait3A_73] : memref<10000x128xf32, #tpu.memory_space<hbm>> -> memref<10000x128xf32, #tpu.memory_space<hbm>>
      tpu.wait_indirect_dma semaphore(%arg8 : memref<!tpu.dma_semaphore, #tpu.memory_space<semaphore_mem>>) src(%dma_wait3A_74 : memref<10000x128xf32, #tpu.memory_space<hbm>>) dst(%arg6 : memref<40x128xf32, #tpu.memory_space<vmem>>)
      %add3A_75 = arith.constant 1 : i32
      %add3A_76 = arith.addi %add3A_41, %add3A_75 : i32
      %mul3A_77 = arith.constant 40 : i32
      %mul3A_78 = arith.muli %add3A_76, %mul3A_77 : i32
      %add3A_79 = arith.addi %mul3A_2, %mul3A_78 : i32
      %dma_start3A_80 = arith.constant 0 : i32
      %dma_start3A_81 = tpu.memref_slice %arg4[%add3A_79, %dma_start3A_80] : memref<160000x128xf32, #tpu.memory_space<hbm>> -> memref<40x128xf32, #tpu.memory_space<hbm>>
      %dma_start3A_82 = arith.constant 0 : i32
      %dma_start3A_83 = tpu.memref_slice %arg4[%add3A_79, %dma_start3A_82] : memref<160000x128xf32, #tpu.memory_space<hbm>> -> memref<40x128xf32, #tpu.memory_space<hbm>>
      tpu.enqueue_dma source(%arg6 : memref<40x128xf32, #tpu.memory_space<vmem>>) target(%dma_start3A_83 : memref<40x128xf32, #tpu.memory_space<hbm>>) target_semaphore(%arg10 : memref<!tpu.dma_semaphore, #tpu.memory_space<semaphore_mem>>)
      %dma_wait3A_84 = arith.constant 0 : i32
      %dma_wait3A_85 = tpu.memref_slice %arg4[%mul3A_2, %dma_wait3A_84] : memref<160000x128xf32, #tpu.memory_space<hbm>> -> memref<40x128xf32, #tpu.memory_space<hbm>>
      %dma_wait3A_86 = arith.constant 0 : i32
      %dma_wait3A_87 = tpu.memref_slice %arg4[%mul3A_2, %dma_wait3A_86] : memref<160000x128xf32, #tpu.memory_space<hbm>> -> memref<40x128xf32, #tpu.memory_space<hbm>>
      tpu.wait_dma2 semaphore(%arg11 : memref<!tpu.dma_semaphore, #tpu.memory_space<semaphore_mem>>) src(%arg7 : memref<40x128xf32, #tpu.memory_space<vmem>>) dst(%dma_wait3A_87 : memref<40x128xf32, #tpu.memory_space<hbm>>)
      %lt3A = arith.constant 61 : i32
      %lt3A_88 = arith.cmpi slt, %scan3A_37, %lt3A : i32
      %convert_element_type3A = arith.extui %lt3A_88 : i1 to i32
      %cond3A = arith.constant 0 : i32
      %cond3A_89 = arith.cmpi ne, %convert_element_type3A, %cond3A : i32
      scf.if %cond3A_89 {
        %add3A_90 = arith.constant 2 : i32
        %add3A_91 = arith.addi %add3A_41, %add3A_90 : i32
        %dma_start3A_92 = arith.constant 0 : i32
        %dma_start3A_93 = tpu.memref_slice %arg5[%add3A_91, %dma_start3A_92] : memref<125x40xi32, #tpu.memory_space<vmem>> -> memref<1x40xi32, #tpu.memory_space<vmem>>
        %dma_start3A_94 = tpu.memref_squeeze %dma_start3A_93 : memref<1x40xi32, #tpu.memory_space<vmem>> -> memref<40xi32, #tpu.memory_space<vmem>>
        %dma_start3A_95 = arith.constant 0 : i32
        %dma_start3A_96 = arith.constant 0 : i32
        %dma_start3A_97 = tpu.memref_slice %arg2[%dma_start3A_95, %dma_start3A_96] : memref<10000x128xf32, #tpu.memory_space<hbm>> -> memref<10000x128xf32, #tpu.memory_space<hbm>>
        tpu.enqueue_indirect_dma source(%dma_start3A_97 : memref<10000x128xf32, #tpu.memory_space<hbm>>) target(%arg7 : memref<40x128xf32, #tpu.memory_space<vmem>>) offsets(%dma_start3A_94 : memref<40xi32, #tpu.memory_space<vmem>>) semaphore(%arg9 : memref<!tpu.dma_semaphore, #tpu.memory_space<semaphore_mem>>)
      } else {
      }
    }
    %scan3A_32 = arith.constant 62 : i32
    %dma_wait3A_33 = arith.constant 0 : i32
    %dma_wait3A_34 = tpu.memref_slice %arg4[%mul3A_2, %dma_wait3A_33] : memref<160000x128xf32, #tpu.memory_space<hbm>> -> memref<40x128xf32, #tpu.memory_space<hbm>>
    %dma_wait3A_35 = arith.constant 0 : i32
    %dma_wait3A_36 = tpu.memref_slice %arg4[%mul3A_2, %dma_wait3A_35] : memref<160000x128xf32, #tpu.memory_space<hbm>> -> memref<40x128xf32, #tpu.memory_space<hbm>>
    tpu.wait_dma2 semaphore(%arg10 : memref<!tpu.dma_semaphore, #tpu.memory_space<semaphore_mem>>) src(%arg6 : memref<40x128xf32, #tpu.memory_space<vmem>>) dst(%dma_wait3A_36 : memref<40x128xf32, #tpu.memory_space<hbm>>)
    return
  }
}

module attributes {stable_mosaic.version = 14 : i64} {
  func.func @_tc_body(%arg0: i32, %arg1: memref<6400x16xf32, #tpu.memory_space<vmem>>, %arg2: memref<6400x128xf32, #tpu.memory_space<vmem>>, %arg3: memref<16x136xf32, #tpu.memory_space<vmem>>, %arg4: memref<1x128xf32, #tpu.memory_space<vmem>>, %arg5: memref<1x128xf32, #tpu.memory_space<vmem>>, %arg6: memref<8x256xf32, #tpu.memory_space<vmem>>, %arg7: memref<8x128xf32, #tpu.memory_space<vmem>>, %arg8: memref<128x8xf32, #tpu.memory_space<vmem>>, %arg9: memref<128x128xf32, #tpu.memory_space<vmem>>, %arg10: memref<1x128xf32, #tpu.memory_space<vmem>>, %arg11: memref<1x128xf32, #tpu.memory_space<vmem>>, %arg12: memref<1x16xf32, #tpu.memory_space<vmem>>, %arg13: memref<320000x128xf32, #tpu.memory_space<any>>, %arg14: memref<6400x128xf32, #tpu.memory_space<vmem>>) attributes {dimension_semantics = [#tpu.dimension_semantics<arbitrary>], iteration_bounds = array<i64: 25>, scalar_prefetch = 0 : i64, scratch_operands = 0 : i64, tpu.core_type = #tpu.core_type<tc>, window_params = [{transform_indices = @transform_0, window_bounds = array<i64: 6400, 16>}, {transform_indices = @transform_1, window_bounds = array<i64: 6400, 128>}, {pipeline_mode = #tpu.pipeline_mode<synchronous>, transform_indices = @transform_2, window_bounds = array<i64: 16, 136>}, {pipeline_mode = #tpu.pipeline_mode<synchronous>, transform_indices = @transform_3, window_bounds = array<i64: 1, 128>}, {pipeline_mode = #tpu.pipeline_mode<synchronous>, transform_indices = @transform_4, window_bounds = array<i64: 1, 128>}, {pipeline_mode = #tpu.pipeline_mode<synchronous>, transform_indices = @transform_5, window_bounds = array<i64: 8, 256>}, {pipeline_mode = #tpu.pipeline_mode<synchronous>, transform_indices = @transform_6, window_bounds = array<i64: 8, 128>}, {pipeline_mode = #tpu.pipeline_mode<synchronous>, transform_indices = @transform_7, window_bounds = array<i64: 128, 8>}, {pipeline_mode = #tpu.pipeline_mode<synchronous>, transform_indices = @transform_8, window_bounds = array<i64: 128, 128>}, {pipeline_mode = #tpu.pipeline_mode<synchronous>, transform_indices = @transform_9, window_bounds = array<i64: 1, 128>}, {pipeline_mode = #tpu.pipeline_mode<synchronous>, transform_indices = @transform_10, window_bounds = array<i64: 1, 128>}, {pipeline_mode = #tpu.pipeline_mode<synchronous>, transform_indices = @transform_11, window_bounds = array<i64: 1, 16>}, {}, {transform_indices = @transform_13, window_bounds = array<i64: 6400, 128>}]} {
    %get3A = arith.constant 0 : index
    %get3A_0 = arith.constant 0 : index
    %get3A_1 = vector.load %arg1[%get3A, %get3A_0] : memref<6400x16xf32, #tpu.memory_space<vmem>>, vector<6400x16xf32>
    %get3A_2 = arith.constant 0 : index
    %get3A_3 = arith.constant 0 : index
    %get3A_4 = vector.load %arg2[%get3A_2, %get3A_3] : memref<6400x128xf32, #tpu.memory_space<vmem>>, vector<6400x128xf32>
    %get3A_5 = arith.constant 0 : index
    %get3A_6 = arith.constant 0 : index
    %get3A_7 = vector.load %arg3[%get3A_5, %get3A_6] : memref<16x136xf32, #tpu.memory_space<vmem>>, vector<16x136xf32>
    %dot_general3A = arith.constant dense<0.000000e+00> : vector<6400x136xf32>
    %dot_general3A_8 = tpu.matmul %get3A_1, %get3A_7, %dot_general3A {dimension_numbers = #tpu.dot_dimension_numbers<[1], [0], [0], [1], [0, 0, 1, 1], [], []>, transpose_lhs_hint = false} : vector<6400x16xf32>, vector<16x136xf32>, vector<6400x136xf32> -> vector<6400x136xf32>
    %slice3A = vector.extract_strided_slice %dot_general3A_8 {offsets = [0, 0], sizes = [6400, 128], strides = [1, 1]} : vector<6400x136xf32> to vector<6400x128xf32>
    %get3A_9 = arith.constant 0 : index
    %get3A_10 = arith.constant 0 : index
    %get3A_11 = vector.load %arg4[%get3A_9, %get3A_10] : memref<1x128xf32, #tpu.memory_space<vmem>>, vector<1x128xf32>
    %add3A = vector.broadcast %get3A_11 : vector<1x128xf32> to vector<6400x128xf32>
    %add3A_12 = arith.addf %slice3A, %add3A : vector<6400x128xf32>
    %slice3A_13 = vector.extract_strided_slice %dot_general3A_8 {offsets = [0, 128], sizes = [6400, 8], strides = [1, 1]} : vector<6400x136xf32> to vector<6400x8xf32>
    %mul3A = arith.mulf %add3A_12, %add3A_12 : vector<6400x128xf32>
    %get3A_14 = arith.constant 0 : index
    %get3A_15 = arith.constant 0 : index
    %get3A_16 = vector.load %arg8[%get3A_14, %get3A_15] : memref<128x8xf32, #tpu.memory_space<vmem>>, vector<128x8xf32>
    %dot_general3A_17 = arith.constant dense<0.000000e+00> : vector<6400x8xf32>
    %dot_general3A_18 = tpu.matmul %mul3A, %get3A_16, %dot_general3A_17 {dimension_numbers = #tpu.dot_dimension_numbers<[1], [0], [0], [1], [0, 0, 1, 1], [], []>, transpose_lhs_hint = false} : vector<6400x128xf32>, vector<128x8xf32>, vector<6400x8xf32> -> vector<6400x8xf32>
    %get3A_19 = arith.constant 0 : index
    %get3A_20 = arith.constant 0 : index
    %get3A_21 = vector.load %arg8[%get3A_19, %get3A_20] : memref<128x8xf32, #tpu.memory_space<vmem>>, vector<128x8xf32>
    %dot_general3A_22 = arith.constant dense<0.000000e+00> : vector<6400x8xf32>
    %dot_general3A_23 = tpu.matmul %get3A_4, %get3A_21, %dot_general3A_22 {dimension_numbers = #tpu.dot_dimension_numbers<[1], [0], [0], [1], [0, 0, 1, 1], [], []>, transpose_lhs_hint = false} : vector<6400x128xf32>, vector<128x8xf32>, vector<6400x8xf32> -> vector<6400x8xf32>
    %concatenate3A = tpu.concatenate %slice3A_13, %dot_general3A_23, %dot_general3A_18 in 1 : vector<6400x8xf32>, vector<6400x8xf32>, vector<6400x8xf32> -> vector<6400x24xf32>
    %transpose3A = tpu.transpose %concatenate3A, [1, 0] : vector<6400x24xf32> -> vector<24x6400xf32>
    %get3A_24 = arith.constant 0 : index
    %get3A_25 = arith.constant 0 : index
    %get3A_26 = vector.load %arg12[%get3A_24, %get3A_25] : memref<1x16xf32, #tpu.memory_space<vmem>>, vector<1x16xf32>
    %slice3A_27 = vector.extract_strided_slice %transpose3A {offsets = [0, 0], sizes = [1, 6400], strides = [1, 1]} : vector<24x6400xf32> to vector<1x6400xf32>
    %slice3A_28 = vector.extract_strided_slice %get3A_26 {offsets = [0, 0], sizes = [1, 1], strides = [1, 1]} : vector<1x16xf32> to vector<1x1xf32>
    %squeeze3A = vector.extract %slice3A_28[0, 0] : f32 from vector<1x1xf32>
    %add3A_29 = vector.broadcast %squeeze3A : f32 to vector<1x6400xf32>
    %add3A_30 = arith.addf %slice3A_27, %add3A_29 : vector<1x6400xf32>
    %slice3A_31 = vector.extract_strided_slice %transpose3A {offsets = [19, 0], sizes = [1, 6400], strides = [1, 1]} : vector<24x6400xf32> to vector<1x6400xf32>
    %add3A_32 = arith.constant 9.99999974E-6 : f32
    %add3A_33 = vector.broadcast %add3A_32 : f32 to vector<1x6400xf32>
    %add3A_34 = arith.addf %slice3A_31, %add3A_33 : vector<1x6400xf32>
    %rsqrt3A = math.rsqrt %add3A_34 : vector<1x6400xf32>
    %slice3A_35 = vector.extract_strided_slice %transpose3A {offsets = [8, 0], sizes = [1, 6400], strides = [1, 1]} : vector<24x6400xf32> to vector<1x6400xf32>
    %slice3A_36 = vector.extract_strided_slice %get3A_26 {offsets = [0, 10], sizes = [1, 1], strides = [1, 1]} : vector<1x16xf32> to vector<1x1xf32>
    %squeeze3A_37 = vector.extract %slice3A_36[0, 0] : f32 from vector<1x1xf32>
    %add3A_38 = vector.broadcast %squeeze3A_37 : f32 to vector<1x6400xf32>
    %add3A_39 = arith.addf %slice3A_35, %add3A_38 : vector<1x6400xf32>
    %slice3A_40 = vector.extract_strided_slice %transpose3A {offsets = [1, 0], sizes = [1, 6400], strides = [1, 1]} : vector<24x6400xf32> to vector<1x6400xf32>
    %slice3A_41 = vector.extract_strided_slice %get3A_26 {offsets = [0, 1], sizes = [1, 1], strides = [1, 1]} : vector<1x16xf32> to vector<1x1xf32>
    %squeeze3A_42 = vector.extract %slice3A_41[0, 0] : f32 from vector<1x1xf32>
    %add3A_43 = vector.broadcast %squeeze3A_42 : f32 to vector<1x6400xf32>
    %add3A_44 = arith.addf %slice3A_40, %add3A_43 : vector<1x6400xf32>
    %slice3A_45 = vector.extract_strided_slice %get3A_26 {offsets = [0, 2], sizes = [1, 1], strides = [1, 1]} : vector<1x16xf32> to vector<1x1xf32>
    %squeeze3A_46 = vector.extract %slice3A_45[0, 0] : f32 from vector<1x1xf32>
    %mul3A_47 = vector.broadcast %squeeze3A_46 : f32 to vector<1x6400xf32>
    %mul3A_48 = arith.mulf %add3A_30, %mul3A_47 : vector<1x6400xf32>
    %sub3A = arith.subf %add3A_44, %mul3A_48 : vector<1x6400xf32>
    %mul3A_49 = arith.mulf %rsqrt3A, %sub3A : vector<1x6400xf32>
    %slice3A_50 = vector.extract_strided_slice %get3A_26 {offsets = [0, 3], sizes = [1, 1], strides = [1, 1]} : vector<1x16xf32> to vector<1x1xf32>
    %squeeze3A_51 = vector.extract %slice3A_50[0, 0] : f32 from vector<1x1xf32>
    %add3A_52 = vector.broadcast %squeeze3A_51 : f32 to vector<1x6400xf32>
    %add3A_53 = arith.addf %mul3A_49, %add3A_52 : vector<1x6400xf32>
    %slice3A_54 = vector.extract_strided_slice %transpose3A {offsets = [2, 0], sizes = [1, 6400], strides = [1, 1]} : vector<24x6400xf32> to vector<1x6400xf32>
    %slice3A_55 = vector.extract_strided_slice %get3A_26 {offsets = [0, 4], sizes = [1, 1], strides = [1, 1]} : vector<1x16xf32> to vector<1x1xf32>
    %squeeze3A_56 = vector.extract %slice3A_55[0, 0] : f32 from vector<1x1xf32>
    %add3A_57 = vector.broadcast %squeeze3A_56 : f32 to vector<1x6400xf32>
    %add3A_58 = arith.addf %slice3A_54, %add3A_57 : vector<1x6400xf32>
    %slice3A_59 = vector.extract_strided_slice %get3A_26 {offsets = [0, 5], sizes = [1, 1], strides = [1, 1]} : vector<1x16xf32> to vector<1x1xf32>
    %squeeze3A_60 = vector.extract %slice3A_59[0, 0] : f32 from vector<1x1xf32>
    %mul3A_61 = vector.broadcast %squeeze3A_60 : f32 to vector<1x6400xf32>
    %mul3A_62 = arith.mulf %add3A_30, %mul3A_61 : vector<1x6400xf32>
    %sub3A_63 = arith.subf %add3A_58, %mul3A_62 : vector<1x6400xf32>
    %mul3A_64 = arith.mulf %rsqrt3A, %sub3A_63 : vector<1x6400xf32>
    %slice3A_65 = vector.extract_strided_slice %get3A_26 {offsets = [0, 6], sizes = [1, 1], strides = [1, 1]} : vector<1x16xf32> to vector<1x1xf32>
    %squeeze3A_66 = vector.extract %slice3A_65[0, 0] : f32 from vector<1x1xf32>
    %add3A_67 = vector.broadcast %squeeze3A_66 : f32 to vector<1x6400xf32>
    %add3A_68 = arith.addf %mul3A_64, %add3A_67 : vector<1x6400xf32>
    %slice3A_69 = vector.extract_strided_slice %transpose3A {offsets = [3, 0], sizes = [1, 6400], strides = [1, 1]} : vector<24x6400xf32> to vector<1x6400xf32>
    %slice3A_70 = vector.extract_strided_slice %get3A_26 {offsets = [0, 7], sizes = [1, 1], strides = [1, 1]} : vector<1x16xf32> to vector<1x1xf32>
    %squeeze3A_71 = vector.extract %slice3A_70[0, 0] : f32 from vector<1x1xf32>
    %add3A_72 = vector.broadcast %squeeze3A_71 : f32 to vector<1x6400xf32>
    %add3A_73 = arith.addf %slice3A_69, %add3A_72 : vector<1x6400xf32>
    %slice3A_74 = vector.extract_strided_slice %get3A_26 {offsets = [0, 8], sizes = [1, 1], strides = [1, 1]} : vector<1x16xf32> to vector<1x1xf32>
    %squeeze3A_75 = vector.extract %slice3A_74[0, 0] : f32 from vector<1x1xf32>
    %mul3A_76 = vector.broadcast %squeeze3A_75 : f32 to vector<1x6400xf32>
    %mul3A_77 = arith.mulf %add3A_30, %mul3A_76 : vector<1x6400xf32>
    %sub3A_78 = arith.subf %add3A_73, %mul3A_77 : vector<1x6400xf32>
    %mul3A_79 = arith.mulf %rsqrt3A, %sub3A_78 : vector<1x6400xf32>
    %slice3A_80 = vector.extract_strided_slice %get3A_26 {offsets = [0, 9], sizes = [1, 1], strides = [1, 1]} : vector<1x16xf32> to vector<1x1xf32>
    %squeeze3A_81 = vector.extract %slice3A_80[0, 0] : f32 from vector<1x1xf32>
    %add3A_82 = vector.broadcast %squeeze3A_81 : f32 to vector<1x6400xf32>
    %add3A_83 = arith.addf %mul3A_79, %add3A_82 : vector<1x6400xf32>
    %ge3A = arith.constant 0.000000e+00 : f32
    %ge3A_84 = vector.broadcast %ge3A : f32 to vector<1x6400xf32>
    %ge3A_85 = arith.cmpf oge, %add3A_39, %ge3A_84 : vector<1x6400xf32>
    %mul3A_86 = arith.constant 0.00999999977 : f32
    %mul3A_87 = vector.broadcast %mul3A_86 : f32 to vector<1x6400xf32>
    %mul3A_88 = arith.mulf %mul3A_87, %add3A_39 : vector<1x6400xf32>
    %select_n3A = arith.select %ge3A_85, %add3A_39, %mul3A_88 : vector<1x6400xi1>, vector<1x6400xf32>
    %ge3A_89 = arith.constant 0.000000e+00 : f32
    %ge3A_90 = vector.broadcast %ge3A_89 : f32 to vector<1x6400xf32>
    %ge3A_91 = arith.cmpf oge, %add3A_53, %ge3A_90 : vector<1x6400xf32>
    %mul3A_92 = arith.constant 0.00999999977 : f32
    %mul3A_93 = vector.broadcast %mul3A_92 : f32 to vector<1x6400xf32>
    %mul3A_94 = arith.mulf %mul3A_93, %add3A_53 : vector<1x6400xf32>
    %select_n3A_95 = arith.select %ge3A_91, %add3A_53, %mul3A_94 : vector<1x6400xi1>, vector<1x6400xf32>
    %sub3A_96 = arith.subf %select_n3A, %select_n3A_95 : vector<1x6400xf32>
    %exp3A = math.exp %sub3A_96 : vector<1x6400xf32>
    %add3A_97 = arith.constant 1.000000e+00 : f32
    %add3A_98 = vector.broadcast %add3A_97 : f32 to vector<1x6400xf32>
    %add3A_99 = arith.addf %add3A_98, %exp3A : vector<1x6400xf32>
    %div3A = arith.constant 1.000000e+00 : f32
    %div3A_100 = vector.broadcast %div3A : f32 to vector<1x6400xf32>
    %div3A_101 = arith.divf %div3A_100, %add3A_99 : vector<1x6400xf32>
    %sub3A_102 = arith.constant 1.000000e+00 : f32
    %sub3A_103 = vector.broadcast %sub3A_102 : f32 to vector<1x6400xf32>
    %sub3A_104 = arith.subf %sub3A_103, %div3A_101 : vector<1x6400xf32>
    %slice3A_105 = vector.extract_strided_slice %transpose3A {offsets = [9, 0], sizes = [1, 6400], strides = [1, 1]} : vector<24x6400xf32> to vector<1x6400xf32>
    %mul3A_106 = arith.mulf %sub3A_104, %slice3A_105 : vector<1x6400xf32>
    %mul3A_107 = arith.mulf %div3A_101, %add3A_68 : vector<1x6400xf32>
    %add3A_108 = arith.addf %mul3A_106, %mul3A_107 : vector<1x6400xf32>
    %slice3A_109 = vector.extract_strided_slice %transpose3A {offsets = [10, 0], sizes = [1, 6400], strides = [1, 1]} : vector<24x6400xf32> to vector<1x6400xf32>
    %add3A_110 = arith.addf %add3A_108, %slice3A_109 : vector<1x6400xf32>
    %neg3A = arith.constant 0.000000e+00 : f32
    %neg3A_111 = vector.broadcast %neg3A : f32 to vector<1x6400xf32>
    %neg3A_112 = arith.subf %neg3A_111, %add3A_110 : vector<1x6400xf32>
    %exp3A_113 = math.exp %neg3A_112 : vector<1x6400xf32>
    %add3A_114 = arith.constant 1.000000e+00 : f32
    %add3A_115 = vector.broadcast %add3A_114 : f32 to vector<1x6400xf32>
    %add3A_116 = arith.addf %add3A_115, %exp3A_113 : vector<1x6400xf32>
    %div3A_117 = arith.constant 1.000000e+00 : f32
    %div3A_118 = vector.broadcast %div3A_117 : f32 to vector<1x6400xf32>
    %div3A_119 = arith.divf %div3A_118, %add3A_116 : vector<1x6400xf32>
    %sub3A_120 = arith.constant 1.000000e+00 : f32
    %sub3A_121 = vector.broadcast %sub3A_120 : f32 to vector<1x6400xf32>
    %sub3A_122 = arith.subf %sub3A_121, %div3A_119 : vector<1x6400xf32>
    %mul3A_123 = arith.mulf %sub3A_122, %div3A_101 : vector<1x6400xf32>
    %sub3A_124 = arith.constant 1.000000e+00 : f32
    %sub3A_125 = vector.broadcast %sub3A_124 : f32 to vector<1x6400xf32>
    %sub3A_126 = arith.subf %sub3A_125, %mul3A_123 : vector<1x6400xf32>
    %mul3A_127 = arith.mulf %mul3A_123, %rsqrt3A : vector<1x6400xf32>
    %slice3A_128 = vector.extract_strided_slice %transpose3A {offsets = [11, 0], sizes = [1, 6400], strides = [1, 1]} : vector<24x6400xf32> to vector<1x6400xf32>
    %mul3A_129 = arith.mulf %sub3A_126, %slice3A_128 : vector<1x6400xf32>
    %mul3A_130 = arith.mulf %mul3A_123, %add3A_83 : vector<1x6400xf32>
    %add3A_131 = arith.addf %mul3A_129, %mul3A_130 : vector<1x6400xf32>
    %concatenate3A_132 = tpu.concatenate %sub3A_126, %mul3A_127, %mul3A_123, %add3A_131, %add3A_131, %add3A_131, %add3A_131, %add3A_131 in 0 : vector<1x6400xf32>, vector<1x6400xf32>, vector<1x6400xf32>, vector<1x6400xf32>, vector<1x6400xf32>, vector<1x6400xf32>, vector<1x6400xf32>, vector<1x6400xf32> -> vector<8x6400xf32>
    %transpose3A_133 = tpu.transpose %concatenate3A_132, [1, 0] : vector<8x6400xf32> -> vector<6400x8xf32>
    %get3A_134 = arith.constant 0 : index
    %get3A_135 = arith.constant 0 : index
    %get3A_136 = vector.load %arg6[%get3A_134, %get3A_135] : memref<8x256xf32, #tpu.memory_space<vmem>>, vector<8x256xf32>
    %dot_general3A_137 = arith.constant dense<0.000000e+00> : vector<6400x256xf32>
    %dot_general3A_138 = tpu.matmul %transpose3A_133, %get3A_136, %dot_general3A_137 {dimension_numbers = #tpu.dot_dimension_numbers<[1], [0], [0], [1], [0, 0, 1, 1], [], []>, transpose_lhs_hint = false} : vector<6400x8xf32>, vector<8x256xf32>, vector<6400x256xf32> -> vector<6400x256xf32>
    %get3A_139 = arith.constant 0 : index
    %get3A_140 = arith.constant 0 : index
    %get3A_141 = vector.load %arg7[%get3A_139, %get3A_140] : memref<8x128xf32, #tpu.memory_space<vmem>>, vector<8x128xf32>
    %dot_general3A_142 = arith.constant dense<0.000000e+00> : vector<6400x128xf32>
    %dot_general3A_143 = tpu.matmul %transpose3A_133, %get3A_141, %dot_general3A_142 {dimension_numbers = #tpu.dot_dimension_numbers<[1], [0], [0], [1], [0, 0, 1, 1], [], []>, transpose_lhs_hint = false} : vector<6400x8xf32>, vector<8x128xf32>, vector<6400x128xf32> -> vector<6400x128xf32>
    %get3A_144 = arith.constant 0 : index
    %get3A_145 = arith.constant 0 : index
    %get3A_146 = vector.load %arg5[%get3A_144, %get3A_145] : memref<1x128xf32, #tpu.memory_space<vmem>>, vector<1x128xf32>
    %mul3A_147 = vector.broadcast %get3A_146 : vector<1x128xf32> to vector<6400x128xf32>
    %mul3A_148 = arith.mulf %add3A_12, %mul3A_147 : vector<6400x128xf32>
    %slice3A_149 = vector.extract_strided_slice %dot_general3A_138 {offsets = [0, 0], sizes = [6400, 128], strides = [1, 1]} : vector<6400x256xf32> to vector<6400x128xf32>
    %mul3A_150 = arith.mulf %slice3A_149, %get3A_4 : vector<6400x128xf32>
    %slice3A_151 = vector.extract_strided_slice %dot_general3A_138 {offsets = [0, 128], sizes = [6400, 128], strides = [1, 1]} : vector<6400x256xf32> to vector<6400x128xf32>
    %mul3A_152 = arith.mulf %slice3A_151, %mul3A_148 : vector<6400x128xf32>
    %add3A_153 = arith.addf %mul3A_150, %mul3A_152 : vector<6400x128xf32>
    %add3A_154 = arith.addf %add3A_153, %dot_general3A_143 : vector<6400x128xf32>
    %mul3A_155 = arith.mulf %add3A_154, %add3A_154 : vector<6400x128xf32>
    %get3A_156 = arith.constant 0 : index
    %get3A_157 = arith.constant 0 : index
    %get3A_158 = vector.load %arg9[%get3A_156, %get3A_157] : memref<128x128xf32, #tpu.memory_space<vmem>>, vector<128x128xf32>
    %dot_general3A_159 = arith.constant dense<0.000000e+00> : vector<6400x128xf32>
    %dot_general3A_160 = tpu.matmul %mul3A_155, %get3A_158, %dot_general3A_159 {dimension_numbers = #tpu.dot_dimension_numbers<[1], [0], [0], [1], [0, 0, 1, 1], [], []>, transpose_lhs_hint = false} : vector<6400x128xf32>, vector<128x128xf32>, vector<6400x128xf32> -> vector<6400x128xf32>
    %add3A_161 = arith.constant 9.99999974E-6 : f32
    %add3A_162 = vector.broadcast %add3A_161 : f32 to vector<6400x128xf32>
    %add3A_163 = arith.addf %dot_general3A_160, %add3A_162 : vector<6400x128xf32>
    %rsqrt3A_164 = math.rsqrt %add3A_163 : vector<6400x128xf32>
    %get3A_165 = arith.constant 0 : index
    %get3A_166 = arith.constant 0 : index
    %get3A_167 = vector.load %arg10[%get3A_165, %get3A_166] : memref<1x128xf32, #tpu.memory_space<vmem>>, vector<1x128xf32>
    %mul3A_168 = vector.broadcast %get3A_167 : vector<1x128xf32> to vector<6400x128xf32>
    %mul3A_169 = arith.mulf %rsqrt3A_164, %mul3A_168 : vector<6400x128xf32>
    %mul3A_170 = arith.mulf %add3A_154, %mul3A_169 : vector<6400x128xf32>
    %get3A_171 = arith.constant 0 : index
    %get3A_172 = arith.constant 0 : index
    %get3A_173 = vector.load %arg11[%get3A_171, %get3A_172] : memref<1x128xf32, #tpu.memory_space<vmem>>, vector<1x128xf32>
    %add3A_174 = vector.broadcast %get3A_173 : vector<1x128xf32> to vector<6400x128xf32>
    %add3A_175 = arith.addf %mul3A_170, %add3A_174 : vector<6400x128xf32>
    %max3A = arith.constant 0.000000e+00 : f32
    %max3A_176 = vector.broadcast %max3A : f32 to vector<6400x128xf32>
    %max3A_177 = arith.maximumf %add3A_175, %max3A_176 : vector<6400x128xf32>
    %swap3A = arith.constant 0 : index
    %swap3A_178 = arith.constant 0 : index
    %swap3A_179 = vector.load %arg14[%swap3A, %swap3A_178] : memref<6400x128xf32, #tpu.memory_space<vmem>>, vector<6400x128xf32>
    tpu.vector_store %arg14[%swap3A, %swap3A_178], %max3A_177 {strides = array<i32>} : memref<6400x128xf32, #tpu.memory_space<vmem>>, vector<6400x128xf32>,
    return
  }
  func.func @transform_0(%arg0: i32) -> (i32, i32) {
    %add3A = arith.constant 25 : i32
    %add3A_0 = arith.addi %arg0, %add3A : i32
    %c0_i32 = arith.constant 0 : i32
    %c0_i32_1 = arith.constant 0 : i32
    return %add3A_0, %c0_i32 : i32, i32
  }
  func.func @transform_1(%arg0: i32) -> (i32, i32) {
    %c0_i32 = arith.constant 0 : i32
    %c0_i32_0 = arith.constant 0 : i32
    return %arg0, %c0_i32 : i32, i32
  }
  func.func @transform_2(%arg0: i32) -> (i32, i32) {
    %c0_i32 = arith.constant 0 : i32
    %c0_i32_0 = arith.constant 0 : i32
    %c0_i32_1 = arith.constant 0 : i32
    return %c0_i32, %c0_i32_0 : i32, i32
  }
  func.func @transform_3(%arg0: i32) -> (i32, i32) {
    %c0_i32 = arith.constant 0 : i32
    %c0_i32_0 = arith.constant 0 : i32
    %c0_i32_1 = arith.constant 0 : i32
    return %c0_i32, %c0_i32_0 : i32, i32
  }
  func.func @transform_4(%arg0: i32) -> (i32, i32) {
    %c0_i32 = arith.constant 0 : i32
    %c0_i32_0 = arith.constant 0 : i32
    %c0_i32_1 = arith.constant 0 : i32
    return %c0_i32, %c0_i32_0 : i32, i32
  }
  func.func @transform_5(%arg0: i32) -> (i32, i32) {
    %c0_i32 = arith.constant 0 : i32
    %c0_i32_0 = arith.constant 0 : i32
    %c0_i32_1 = arith.constant 0 : i32
    return %c0_i32, %c0_i32_0 : i32, i32
  }
  func.func @transform_6(%arg0: i32) -> (i32, i32) {
    %c0_i32 = arith.constant 0 : i32
    %c0_i32_0 = arith.constant 0 : i32
    %c0_i32_1 = arith.constant 0 : i32
    return %c0_i32, %c0_i32_0 : i32, i32
  }
  func.func @transform_7(%arg0: i32) -> (i32, i32) {
    %c0_i32 = arith.constant 0 : i32
    %c0_i32_0 = arith.constant 0 : i32
    %c0_i32_1 = arith.constant 0 : i32
    return %c0_i32, %c0_i32_0 : i32, i32
  }
  func.func @transform_8(%arg0: i32) -> (i32, i32) {
    %c0_i32 = arith.constant 0 : i32
    %c0_i32_0 = arith.constant 0 : i32
    %c0_i32_1 = arith.constant 0 : i32
    return %c0_i32, %c0_i32_0 : i32, i32
  }
  func.func @transform_9(%arg0: i32) -> (i32, i32) {
    %c0_i32 = arith.constant 0 : i32
    %c0_i32_0 = arith.constant 0 : i32
    %c0_i32_1 = arith.constant 0 : i32
    return %c0_i32, %c0_i32_0 : i32, i32
  }
  func.func @transform_10(%arg0: i32) -> (i32, i32) {
    %c0_i32 = arith.constant 0 : i32
    %c0_i32_0 = arith.constant 0 : i32
    %c0_i32_1 = arith.constant 0 : i32
    return %c0_i32, %c0_i32_0 : i32, i32
  }
  func.func @transform_11(%arg0: i32) -> (i32, i32) {
    %c0_i32 = arith.constant 0 : i32
    %c0_i32_0 = arith.constant 0 : i32
    %c0_i32_1 = arith.constant 0 : i32
    return %c0_i32, %c0_i32_0 : i32, i32
  }
  func.func @transform_13(%arg0: i32) -> (i32, i32) {
    %add3A = arith.constant 25 : i32
    %add3A_0 = arith.addi %arg0, %add3A : i32
    %c0_i32 = arith.constant 0 : i32
    %c0_i32_1 = arith.constant 0 : i32
    return %add3A_0, %c0_i32 : i32, i32
  }
}

module attributes {stable_mosaic.version = 14 : i64} {
  func.func @_tc_body(%arg0: i32, %arg1: memref<6400x16xf32, #tpu.memory_space<vmem>>, %arg2: memref<6400x128xf32, #tpu.memory_space<vmem>>, %arg3: memref<16x136xf32, #tpu.memory_space<vmem>>, %arg4: memref<1x128xf32, #tpu.memory_space<vmem>>, %arg5: memref<1x128xf32, #tpu.memory_space<vmem>>, %arg6: memref<8x256xf32, #tpu.memory_space<vmem>>, %arg7: memref<8x128xf32, #tpu.memory_space<vmem>>, %arg8: memref<128x8xf32, #tpu.memory_space<vmem>>, %arg9: memref<128x128xf32, #tpu.memory_space<vmem>>, %arg10: memref<1x128xf32, #tpu.memory_space<vmem>>, %arg11: memref<1x128xf32, #tpu.memory_space<vmem>>, %arg12: memref<1x16xf32, #tpu.memory_space<vmem>>, %arg13: memref<6400x128xf32, #tpu.memory_space<vmem>>) attributes {dimension_semantics = [#tpu.dimension_semantics<arbitrary>], iteration_bounds = array<i64: 25>, scalar_prefetch = 0 : i64, scratch_operands = 0 : i64, tpu.core_type = #tpu.core_type<tc>, window_params = [{transform_indices = @transform_0, window_bounds = array<i64: 6400, 16>}, {transform_indices = @transform_1, window_bounds = array<i64: 6400, 128>}, {pipeline_mode = #tpu.pipeline_mode<synchronous>, transform_indices = @transform_2, window_bounds = array<i64: 16, 136>}, {pipeline_mode = #tpu.pipeline_mode<synchronous>, transform_indices = @transform_3, window_bounds = array<i64: 1, 128>}, {pipeline_mode = #tpu.pipeline_mode<synchronous>, transform_indices = @transform_4, window_bounds = array<i64: 1, 128>}, {pipeline_mode = #tpu.pipeline_mode<synchronous>, transform_indices = @transform_5, window_bounds = array<i64: 8, 256>}, {pipeline_mode = #tpu.pipeline_mode<synchronous>, transform_indices = @transform_6, window_bounds = array<i64: 8, 128>}, {pipeline_mode = #tpu.pipeline_mode<synchronous>, transform_indices = @transform_7, window_bounds = array<i64: 128, 8>}, {pipeline_mode = #tpu.pipeline_mode<synchronous>, transform_indices = @transform_8, window_bounds = array<i64: 128, 128>}, {pipeline_mode = #tpu.pipeline_mode<synchronous>, transform_indices = @transform_9, window_bounds = array<i64: 1, 128>}, {pipeline_mode = #tpu.pipeline_mode<synchronous>, transform_indices = @transform_10, window_bounds = array<i64: 1, 128>}, {pipeline_mode = #tpu.pipeline_mode<synchronous>, transform_indices = @transform_11, window_bounds = array<i64: 1, 16>}, {transform_indices = @transform_12, window_bounds = array<i64: 6400, 128>}]} {
    %get3A = arith.constant 0 : index
    %get3A_0 = arith.constant 0 : index
    %get3A_1 = vector.load %arg1[%get3A, %get3A_0] : memref<6400x16xf32, #tpu.memory_space<vmem>>, vector<6400x16xf32>
    %get3A_2 = arith.constant 0 : index
    %get3A_3 = arith.constant 0 : index
    %get3A_4 = vector.load %arg2[%get3A_2, %get3A_3] : memref<6400x128xf32, #tpu.memory_space<vmem>>, vector<6400x128xf32>
    %get3A_5 = arith.constant 0 : index
    %get3A_6 = arith.constant 0 : index
    %get3A_7 = vector.load %arg3[%get3A_5, %get3A_6] : memref<16x136xf32, #tpu.memory_space<vmem>>, vector<16x136xf32>
    %dot_general3A = arith.constant dense<0.000000e+00> : vector<6400x136xf32>
    %dot_general3A_8 = tpu.matmul %get3A_1, %get3A_7, %dot_general3A {dimension_numbers = #tpu.dot_dimension_numbers<[1], [0], [0], [1], [0, 0, 1, 1], [], []>, transpose_lhs_hint = false} : vector<6400x16xf32>, vector<16x136xf32>, vector<6400x136xf32> -> vector<6400x136xf32>
    %slice3A = vector.extract_strided_slice %dot_general3A_8 {offsets = [0, 0], sizes = [6400, 128], strides = [1, 1]} : vector<6400x136xf32> to vector<6400x128xf32>
    %get3A_9 = arith.constant 0 : index
    %get3A_10 = arith.constant 0 : index
    %get3A_11 = vector.load %arg4[%get3A_9, %get3A_10] : memref<1x128xf32, #tpu.memory_space<vmem>>, vector<1x128xf32>
    %add3A = vector.broadcast %get3A_11 : vector<1x128xf32> to vector<6400x128xf32>
    %add3A_12 = arith.addf %slice3A, %add3A : vector<6400x128xf32>
    %slice3A_13 = vector.extract_strided_slice %dot_general3A_8 {offsets = [0, 128], sizes = [6400, 8], strides = [1, 1]} : vector<6400x136xf32> to vector<6400x8xf32>
    %mul3A = arith.mulf %add3A_12, %add3A_12 : vector<6400x128xf32>
    %get3A_14 = arith.constant 0 : index
    %get3A_15 = arith.constant 0 : index
    %get3A_16 = vector.load %arg8[%get3A_14, %get3A_15] : memref<128x8xf32, #tpu.memory_space<vmem>>, vector<128x8xf32>
    %dot_general3A_17 = arith.constant dense<0.000000e+00> : vector<6400x8xf32>
    %dot_general3A_18 = tpu.matmul %mul3A, %get3A_16, %dot_general3A_17 {dimension_numbers = #tpu.dot_dimension_numbers<[1], [0], [0], [1], [0, 0, 1, 1], [], []>, transpose_lhs_hint = false} : vector<6400x128xf32>, vector<128x8xf32>, vector<6400x8xf32> -> vector<6400x8xf32>
    %get3A_19 = arith.constant 0 : index
    %get3A_20 = arith.constant 0 : index
    %get3A_21 = vector.load %arg8[%get3A_19, %get3A_20] : memref<128x8xf32, #tpu.memory_space<vmem>>, vector<128x8xf32>
    %dot_general3A_22 = arith.constant dense<0.000000e+00> : vector<6400x8xf32>
    %dot_general3A_23 = tpu.matmul %get3A_4, %get3A_21, %dot_general3A_22 {dimension_numbers = #tpu.dot_dimension_numbers<[1], [0], [0], [1], [0, 0, 1, 1], [], []>, transpose_lhs_hint = false} : vector<6400x128xf32>, vector<128x8xf32>, vector<6400x8xf32> -> vector<6400x8xf32>
    %concatenate3A = tpu.concatenate %slice3A_13, %dot_general3A_23, %dot_general3A_18 in 1 : vector<6400x8xf32>, vector<6400x8xf32>, vector<6400x8xf32> -> vector<6400x24xf32>
    %transpose3A = tpu.transpose %concatenate3A, [1, 0] : vector<6400x24xf32> -> vector<24x6400xf32>
    %get3A_24 = arith.constant 0 : index
    %get3A_25 = arith.constant 0 : index
    %get3A_26 = vector.load %arg12[%get3A_24, %get3A_25] : memref<1x16xf32, #tpu.memory_space<vmem>>, vector<1x16xf32>
    %slice3A_27 = vector.extract_strided_slice %transpose3A {offsets = [0, 0], sizes = [1, 6400], strides = [1, 1]} : vector<24x6400xf32> to vector<1x6400xf32>
    %slice3A_28 = vector.extract_strided_slice %get3A_26 {offsets = [0, 0], sizes = [1, 1], strides = [1, 1]} : vector<1x16xf32> to vector<1x1xf32>
    %squeeze3A = vector.extract %slice3A_28[0, 0] : f32 from vector<1x1xf32>
    %add3A_29 = vector.broadcast %squeeze3A : f32 to vector<1x6400xf32>
    %add3A_30 = arith.addf %slice3A_27, %add3A_29 : vector<1x6400xf32>
    %slice3A_31 = vector.extract_strided_slice %transpose3A {offsets = [19, 0], sizes = [1, 6400], strides = [1, 1]} : vector<24x6400xf32> to vector<1x6400xf32>
    %add3A_32 = arith.constant 9.99999974E-6 : f32
    %add3A_33 = vector.broadcast %add3A_32 : f32 to vector<1x6400xf32>
    %add3A_34 = arith.addf %slice3A_31, %add3A_33 : vector<1x6400xf32>
    %rsqrt3A = math.rsqrt %add3A_34 : vector<1x6400xf32>
    %slice3A_35 = vector.extract_strided_slice %transpose3A {offsets = [8, 0], sizes = [1, 6400], strides = [1, 1]} : vector<24x6400xf32> to vector<1x6400xf32>
    %slice3A_36 = vector.extract_strided_slice %get3A_26 {offsets = [0, 10], sizes = [1, 1], strides = [1, 1]} : vector<1x16xf32> to vector<1x1xf32>
    %squeeze3A_37 = vector.extract %slice3A_36[0, 0] : f32 from vector<1x1xf32>
    %add3A_38 = vector.broadcast %squeeze3A_37 : f32 to vector<1x6400xf32>
    %add3A_39 = arith.addf %slice3A_35, %add3A_38 : vector<1x6400xf32>
    %slice3A_40 = vector.extract_strided_slice %transpose3A {offsets = [1, 0], sizes = [1, 6400], strides = [1, 1]} : vector<24x6400xf32> to vector<1x6400xf32>
    %slice3A_41 = vector.extract_strided_slice %get3A_26 {offsets = [0, 1], sizes = [1, 1], strides = [1, 1]} : vector<1x16xf32> to vector<1x1xf32>
    %squeeze3A_42 = vector.extract %slice3A_41[0, 0] : f32 from vector<1x1xf32>
    %add3A_43 = vector.broadcast %squeeze3A_42 : f32 to vector<1x6400xf32>
    %add3A_44 = arith.addf %slice3A_40, %add3A_43 : vector<1x6400xf32>
    %slice3A_45 = vector.extract_strided_slice %get3A_26 {offsets = [0, 2], sizes = [1, 1], strides = [1, 1]} : vector<1x16xf32> to vector<1x1xf32>
    %squeeze3A_46 = vector.extract %slice3A_45[0, 0] : f32 from vector<1x1xf32>
    %mul3A_47 = vector.broadcast %squeeze3A_46 : f32 to vector<1x6400xf32>
    %mul3A_48 = arith.mulf %add3A_30, %mul3A_47 : vector<1x6400xf32>
    %sub3A = arith.subf %add3A_44, %mul3A_48 : vector<1x6400xf32>
    %mul3A_49 = arith.mulf %rsqrt3A, %sub3A : vector<1x6400xf32>
    %slice3A_50 = vector.extract_strided_slice %get3A_26 {offsets = [0, 3], sizes = [1, 1], strides = [1, 1]} : vector<1x16xf32> to vector<1x1xf32>
    %squeeze3A_51 = vector.extract %slice3A_50[0, 0] : f32 from vector<1x1xf32>
    %add3A_52 = vector.broadcast %squeeze3A_51 : f32 to vector<1x6400xf32>
    %add3A_53 = arith.addf %mul3A_49, %add3A_52 : vector<1x6400xf32>
    %slice3A_54 = vector.extract_strided_slice %transpose3A {offsets = [2, 0], sizes = [1, 6400], strides = [1, 1]} : vector<24x6400xf32> to vector<1x6400xf32>
    %slice3A_55 = vector.extract_strided_slice %get3A_26 {offsets = [0, 4], sizes = [1, 1], strides = [1, 1]} : vector<1x16xf32> to vector<1x1xf32>
    %squeeze3A_56 = vector.extract %slice3A_55[0, 0] : f32 from vector<1x1xf32>
    %add3A_57 = vector.broadcast %squeeze3A_56 : f32 to vector<1x6400xf32>
    %add3A_58 = arith.addf %slice3A_54, %add3A_57 : vector<1x6400xf32>
    %slice3A_59 = vector.extract_strided_slice %get3A_26 {offsets = [0, 5], sizes = [1, 1], strides = [1, 1]} : vector<1x16xf32> to vector<1x1xf32>
    %squeeze3A_60 = vector.extract %slice3A_59[0, 0] : f32 from vector<1x1xf32>
    %mul3A_61 = vector.broadcast %squeeze3A_60 : f32 to vector<1x6400xf32>
    %mul3A_62 = arith.mulf %add3A_30, %mul3A_61 : vector<1x6400xf32>
    %sub3A_63 = arith.subf %add3A_58, %mul3A_62 : vector<1x6400xf32>
    %mul3A_64 = arith.mulf %rsqrt3A, %sub3A_63 : vector<1x6400xf32>
    %slice3A_65 = vector.extract_strided_slice %get3A_26 {offsets = [0, 6], sizes = [1, 1], strides = [1, 1]} : vector<1x16xf32> to vector<1x1xf32>
    %squeeze3A_66 = vector.extract %slice3A_65[0, 0] : f32 from vector<1x1xf32>
    %add3A_67 = vector.broadcast %squeeze3A_66 : f32 to vector<1x6400xf32>
    %add3A_68 = arith.addf %mul3A_64, %add3A_67 : vector<1x6400xf32>
    %slice3A_69 = vector.extract_strided_slice %transpose3A {offsets = [3, 0], sizes = [1, 6400], strides = [1, 1]} : vector<24x6400xf32> to vector<1x6400xf32>
    %slice3A_70 = vector.extract_strided_slice %get3A_26 {offsets = [0, 7], sizes = [1, 1], strides = [1, 1]} : vector<1x16xf32> to vector<1x1xf32>
    %squeeze3A_71 = vector.extract %slice3A_70[0, 0] : f32 from vector<1x1xf32>
    %add3A_72 = vector.broadcast %squeeze3A_71 : f32 to vector<1x6400xf32>
    %add3A_73 = arith.addf %slice3A_69, %add3A_72 : vector<1x6400xf32>
    %slice3A_74 = vector.extract_strided_slice %get3A_26 {offsets = [0, 8], sizes = [1, 1], strides = [1, 1]} : vector<1x16xf32> to vector<1x1xf32>
    %squeeze3A_75 = vector.extract %slice3A_74[0, 0] : f32 from vector<1x1xf32>
    %mul3A_76 = vector.broadcast %squeeze3A_75 : f32 to vector<1x6400xf32>
    %mul3A_77 = arith.mulf %add3A_30, %mul3A_76 : vector<1x6400xf32>
    %sub3A_78 = arith.subf %add3A_73, %mul3A_77 : vector<1x6400xf32>
    %mul3A_79 = arith.mulf %rsqrt3A, %sub3A_78 : vector<1x6400xf32>
    %slice3A_80 = vector.extract_strided_slice %get3A_26 {offsets = [0, 9], sizes = [1, 1], strides = [1, 1]} : vector<1x16xf32> to vector<1x1xf32>
    %squeeze3A_81 = vector.extract %slice3A_80[0, 0] : f32 from vector<1x1xf32>
    %add3A_82 = vector.broadcast %squeeze3A_81 : f32 to vector<1x6400xf32>
    %add3A_83 = arith.addf %mul3A_79, %add3A_82 : vector<1x6400xf32>
    %ge3A = arith.constant 0.000000e+00 : f32
    %ge3A_84 = vector.broadcast %ge3A : f32 to vector<1x6400xf32>
    %ge3A_85 = arith.cmpf oge, %add3A_39, %ge3A_84 : vector<1x6400xf32>
    %mul3A_86 = arith.constant 0.00999999977 : f32
    %mul3A_87 = vector.broadcast %mul3A_86 : f32 to vector<1x6400xf32>
    %mul3A_88 = arith.mulf %mul3A_87, %add3A_39 : vector<1x6400xf32>
    %select_n3A = arith.select %ge3A_85, %add3A_39, %mul3A_88 : vector<1x6400xi1>, vector<1x6400xf32>
    %ge3A_89 = arith.constant 0.000000e+00 : f32
    %ge3A_90 = vector.broadcast %ge3A_89 : f32 to vector<1x6400xf32>
    %ge3A_91 = arith.cmpf oge, %add3A_53, %ge3A_90 : vector<1x6400xf32>
    %mul3A_92 = arith.constant 0.00999999977 : f32
    %mul3A_93 = vector.broadcast %mul3A_92 : f32 to vector<1x6400xf32>
    %mul3A_94 = arith.mulf %mul3A_93, %add3A_53 : vector<1x6400xf32>
    %select_n3A_95 = arith.select %ge3A_91, %add3A_53, %mul3A_94 : vector<1x6400xi1>, vector<1x6400xf32>
    %sub3A_96 = arith.subf %select_n3A, %select_n3A_95 : vector<1x6400xf32>
    %exp3A = math.exp %sub3A_96 : vector<1x6400xf32>
    %add3A_97 = arith.constant 1.000000e+00 : f32
    %add3A_98 = vector.broadcast %add3A_97 : f32 to vector<1x6400xf32>
    %add3A_99 = arith.addf %add3A_98, %exp3A : vector<1x6400xf32>
    %div3A = arith.constant 1.000000e+00 : f32
    %div3A_100 = vector.broadcast %div3A : f32 to vector<1x6400xf32>
    %div3A_101 = arith.divf %div3A_100, %add3A_99 : vector<1x6400xf32>
    %sub3A_102 = arith.constant 1.000000e+00 : f32
    %sub3A_103 = vector.broadcast %sub3A_102 : f32 to vector<1x6400xf32>
    %sub3A_104 = arith.subf %sub3A_103, %div3A_101 : vector<1x6400xf32>
    %slice3A_105 = vector.extract_strided_slice %transpose3A {offsets = [9, 0], sizes = [1, 6400], strides = [1, 1]} : vector<24x6400xf32> to vector<1x6400xf32>
    %mul3A_106 = arith.mulf %sub3A_104, %slice3A_105 : vector<1x6400xf32>
    %mul3A_107 = arith.mulf %div3A_101, %add3A_68 : vector<1x6400xf32>
    %add3A_108 = arith.addf %mul3A_106, %mul3A_107 : vector<1x6400xf32>
    %slice3A_109 = vector.extract_strided_slice %transpose3A {offsets = [10, 0], sizes = [1, 6400], strides = [1, 1]} : vector<24x6400xf32> to vector<1x6400xf32>
    %add3A_110 = arith.addf %add3A_108, %slice3A_109 : vector<1x6400xf32>
    %neg3A = arith.constant 0.000000e+00 : f32
    %neg3A_111 = vector.broadcast %neg3A : f32 to vector<1x6400xf32>
    %neg3A_112 = arith.subf %neg3A_111, %add3A_110 : vector<1x6400xf32>
    %exp3A_113 = math.exp %neg3A_112 : vector<1x6400xf32>
    %add3A_114 = arith.constant 1.000000e+00 : f32
    %add3A_115 = vector.broadcast %add3A_114 : f32 to vector<1x6400xf32>
    %add3A_116 = arith.addf %add3A_115, %exp3A_113 : vector<1x6400xf32>
    %div3A_117 = arith.constant 1.000000e+00 : f32
    %div3A_118 = vector.broadcast %div3A_117 : f32 to vector<1x6400xf32>
    %div3A_119 = arith.divf %div3A_118, %add3A_116 : vector<1x6400xf32>
    %sub3A_120 = arith.constant 1.000000e+00 : f32
    %sub3A_121 = vector.broadcast %sub3A_120 : f32 to vector<1x6400xf32>
    %sub3A_122 = arith.subf %sub3A_121, %div3A_119 : vector<1x6400xf32>
    %mul3A_123 = arith.mulf %sub3A_122, %div3A_101 : vector<1x6400xf32>
    %sub3A_124 = arith.constant 1.000000e+00 : f32
    %sub3A_125 = vector.broadcast %sub3A_124 : f32 to vector<1x6400xf32>
    %sub3A_126 = arith.subf %sub3A_125, %mul3A_123 : vector<1x6400xf32>
    %mul3A_127 = arith.mulf %mul3A_123, %rsqrt3A : vector<1x6400xf32>
    %slice3A_128 = vector.extract_strided_slice %transpose3A {offsets = [11, 0], sizes = [1, 6400], strides = [1, 1]} : vector<24x6400xf32> to vector<1x6400xf32>
    %mul3A_129 = arith.mulf %sub3A_126, %slice3A_128 : vector<1x6400xf32>
    %mul3A_130 = arith.mulf %mul3A_123, %add3A_83 : vector<1x6400xf32>
    %add3A_131 = arith.addf %mul3A_129, %mul3A_130 : vector<1x6400xf32>
    %concatenate3A_132 = tpu.concatenate %sub3A_126, %mul3A_127, %mul3A_123, %add3A_131, %add3A_131, %add3A_131, %add3A_131, %add3A_131 in 0 : vector<1x6400xf32>, vector<1x6400xf32>, vector<1x6400xf32>, vector<1x6400xf32>, vector<1x6400xf32>, vector<1x6400xf32>, vector<1x6400xf32>, vector<1x6400xf32> -> vector<8x6400xf32>
    %transpose3A_133 = tpu.transpose %concatenate3A_132, [1, 0] : vector<8x6400xf32> -> vector<6400x8xf32>
    %get3A_134 = arith.constant 0 : index
    %get3A_135 = arith.constant 0 : index
    %get3A_136 = vector.load %arg6[%get3A_134, %get3A_135] : memref<8x256xf32, #tpu.memory_space<vmem>>, vector<8x256xf32>
    %dot_general3A_137 = arith.constant dense<0.000000e+00> : vector<6400x256xf32>
    %dot_general3A_138 = tpu.matmul %transpose3A_133, %get3A_136, %dot_general3A_137 {dimension_numbers = #tpu.dot_dimension_numbers<[1], [0], [0], [1], [0, 0, 1, 1], [], []>, transpose_lhs_hint = false} : vector<6400x8xf32>, vector<8x256xf32>, vector<6400x256xf32> -> vector<6400x256xf32>
    %get3A_139 = arith.constant 0 : index
    %get3A_140 = arith.constant 0 : index
    %get3A_141 = vector.load %arg7[%get3A_139, %get3A_140] : memref<8x128xf32, #tpu.memory_space<vmem>>, vector<8x128xf32>
    %dot_general3A_142 = arith.constant dense<0.000000e+00> : vector<6400x128xf32>
    %dot_general3A_143 = tpu.matmul %transpose3A_133, %get3A_141, %dot_general3A_142 {dimension_numbers = #tpu.dot_dimension_numbers<[1], [0], [0], [1], [0, 0, 1, 1], [], []>, transpose_lhs_hint = false} : vector<6400x8xf32>, vector<8x128xf32>, vector<6400x128xf32> -> vector<6400x128xf32>
    %get3A_144 = arith.constant 0 : index
    %get3A_145 = arith.constant 0 : index
    %get3A_146 = vector.load %arg5[%get3A_144, %get3A_145] : memref<1x128xf32, #tpu.memory_space<vmem>>, vector<1x128xf32>
    %mul3A_147 = vector.broadcast %get3A_146 : vector<1x128xf32> to vector<6400x128xf32>
    %mul3A_148 = arith.mulf %add3A_12, %mul3A_147 : vector<6400x128xf32>
    %slice3A_149 = vector.extract_strided_slice %dot_general3A_138 {offsets = [0, 0], sizes = [6400, 128], strides = [1, 1]} : vector<6400x256xf32> to vector<6400x128xf32>
    %mul3A_150 = arith.mulf %slice3A_149, %get3A_4 : vector<6400x128xf32>
    %slice3A_151 = vector.extract_strided_slice %dot_general3A_138 {offsets = [0, 128], sizes = [6400, 128], strides = [1, 1]} : vector<6400x256xf32> to vector<6400x128xf32>
    %mul3A_152 = arith.mulf %slice3A_151, %mul3A_148 : vector<6400x128xf32>
    %add3A_153 = arith.addf %mul3A_150, %mul3A_152 : vector<6400x128xf32>
    %add3A_154 = arith.addf %add3A_153, %dot_general3A_143 : vector<6400x128xf32>
    %mul3A_155 = arith.mulf %add3A_154, %add3A_154 : vector<6400x128xf32>
    %get3A_156 = arith.constant 0 : index
    %get3A_157 = arith.constant 0 : index
    %get3A_158 = vector.load %arg9[%get3A_156, %get3A_157] : memref<128x128xf32, #tpu.memory_space<vmem>>, vector<128x128xf32>
    %dot_general3A_159 = arith.constant dense<0.000000e+00> : vector<6400x128xf32>
    %dot_general3A_160 = tpu.matmul %mul3A_155, %get3A_158, %dot_general3A_159 {dimension_numbers = #tpu.dot_dimension_numbers<[1], [0], [0], [1], [0, 0, 1, 1], [], []>, transpose_lhs_hint = false} : vector<6400x128xf32>, vector<128x128xf32>, vector<6400x128xf32> -> vector<6400x128xf32>
    %add3A_161 = arith.constant 9.99999974E-6 : f32
    %add3A_162 = vector.broadcast %add3A_161 : f32 to vector<6400x128xf32>
    %add3A_163 = arith.addf %dot_general3A_160, %add3A_162 : vector<6400x128xf32>
    %rsqrt3A_164 = math.rsqrt %add3A_163 : vector<6400x128xf32>
    %get3A_165 = arith.constant 0 : index
    %get3A_166 = arith.constant 0 : index
    %get3A_167 = vector.load %arg10[%get3A_165, %get3A_166] : memref<1x128xf32, #tpu.memory_space<vmem>>, vector<1x128xf32>
    %mul3A_168 = vector.broadcast %get3A_167 : vector<1x128xf32> to vector<6400x128xf32>
    %mul3A_169 = arith.mulf %rsqrt3A_164, %mul3A_168 : vector<6400x128xf32>
    %mul3A_170 = arith.mulf %add3A_154, %mul3A_169 : vector<6400x128xf32>
    %get3A_171 = arith.constant 0 : index
    %get3A_172 = arith.constant 0 : index
    %get3A_173 = vector.load %arg11[%get3A_171, %get3A_172] : memref<1x128xf32, #tpu.memory_space<vmem>>, vector<1x128xf32>
    %add3A_174 = vector.broadcast %get3A_173 : vector<1x128xf32> to vector<6400x128xf32>
    %add3A_175 = arith.addf %mul3A_170, %add3A_174 : vector<6400x128xf32>
    %max3A = arith.constant 0.000000e+00 : f32
    %max3A_176 = vector.broadcast %max3A : f32 to vector<6400x128xf32>
    %max3A_177 = arith.maximumf %add3A_175, %max3A_176 : vector<6400x128xf32>
    %swap3A = arith.constant 0 : index
    %swap3A_178 = arith.constant 0 : index
    %swap3A_179 = vector.load %arg13[%swap3A, %swap3A_178] : memref<6400x128xf32, #tpu.memory_space<vmem>>, vector<6400x128xf32>
    tpu.vector_store %arg13[%swap3A, %swap3A_178], %max3A_177 {strides = array<i32>} : memref<6400x128xf32, #tpu.memory_space<vmem>>, vector<6400x128xf32>,
    return
  }
  func.func @transform_0(%arg0: i32) -> (i32, i32) {
    %add3A = arith.constant 0 : i32
    %add3A_0 = arith.addi %arg0, %add3A : i32
    %c0_i32 = arith.constant 0 : i32
    %c0_i32_1 = arith.constant 0 : i32
    return %add3A_0, %c0_i32 : i32, i32
  }
  func.func @transform_1(%arg0: i32) -> (i32, i32) {
    %c0_i32 = arith.constant 0 : i32
    %c0_i32_0 = arith.constant 0 : i32
    return %arg0, %c0_i32 : i32, i32
  }
  func.func @transform_2(%arg0: i32) -> (i32, i32) {
    %c0_i32 = arith.constant 0 : i32
    %c0_i32_0 = arith.constant 0 : i32
    %c0_i32_1 = arith.constant 0 : i32
    return %c0_i32, %c0_i32_0 : i32, i32
  }
  func.func @transform_3(%arg0: i32) -> (i32, i32) {
    %c0_i32 = arith.constant 0 : i32
    %c0_i32_0 = arith.constant 0 : i32
    %c0_i32_1 = arith.constant 0 : i32
    return %c0_i32, %c0_i32_0 : i32, i32
  }
  func.func @transform_4(%arg0: i32) -> (i32, i32) {
    %c0_i32 = arith.constant 0 : i32
    %c0_i32_0 = arith.constant 0 : i32
    %c0_i32_1 = arith.constant 0 : i32
    return %c0_i32, %c0_i32_0 : i32, i32
  }
  func.func @transform_5(%arg0: i32) -> (i32, i32) {
    %c0_i32 = arith.constant 0 : i32
    %c0_i32_0 = arith.constant 0 : i32
    %c0_i32_1 = arith.constant 0 : i32
    return %c0_i32, %c0_i32_0 : i32, i32
  }
  func.func @transform_6(%arg0: i32) -> (i32, i32) {
    %c0_i32 = arith.constant 0 : i32
    %c0_i32_0 = arith.constant 0 : i32
    %c0_i32_1 = arith.constant 0 : i32
    return %c0_i32, %c0_i32_0 : i32, i32
  }
  func.func @transform_7(%arg0: i32) -> (i32, i32) {
    %c0_i32 = arith.constant 0 : i32
    %c0_i32_0 = arith.constant 0 : i32
    %c0_i32_1 = arith.constant 0 : i32
    return %c0_i32, %c0_i32_0 : i32, i32
  }
  func.func @transform_8(%arg0: i32) -> (i32, i32) {
    %c0_i32 = arith.constant 0 : i32
    %c0_i32_0 = arith.constant 0 : i32
    %c0_i32_1 = arith.constant 0 : i32
    return %c0_i32, %c0_i32_0 : i32, i32
  }
  func.func @transform_9(%arg0: i32) -> (i32, i32) {
    %c0_i32 = arith.constant 0 : i32
    %c0_i32_0 = arith.constant 0 : i32
    %c0_i32_1 = arith.constant 0 : i32
    return %c0_i32, %c0_i32_0 : i32, i32
  }
  func.func @transform_10(%arg0: i32) -> (i32, i32) {
    %c0_i32 = arith.constant 0 : i32
    %c0_i32_0 = arith.constant 0 : i32
    %c0_i32_1 = arith.constant 0 : i32
    return %c0_i32, %c0_i32_0 : i32, i32
  }
  func.func @transform_11(%arg0: i32) -> (i32, i32) {
    %c0_i32 = arith.constant 0 : i32
    %c0_i32_0 = arith.constant 0 : i32
    %c0_i32_1 = arith.constant 0 : i32
    return %c0_i32, %c0_i32_0 : i32, i32
  }
  func.func @transform_12(%arg0: i32) -> (i32, i32) {
    %add3A = arith.constant 0 : i32
    %add3A_0 = arith.addi %arg0, %add3A : i32
    %c0_i32 = arith.constant 0 : i32
    %c0_i32_1 = arith.constant 0 : i32
    return %add3A_0, %c0_i32 : i32, i32
  }
}

</mosaic_0001>

<sc_bundles>
// kernel: kernel.6.cloned.1.call-start
scs
__scs_entry_jumppad:
0x0: {  	(pc) =	sbr.rel $0x88, $3  }
0x1: {  	(tag) =	ssettag $0x0;
	lr =	simm.s32 $0x1  }
0x2: {  	[smem:$0x3F95] =	sst lr;
	_ =	strace $0xD0000000  }
0x3: {  	_ = 	snop  }
0x4: {  	_ = 	snop  }
0x5: {  	_ = 	snop  }
0x6: {  	_ = 	snop  }
0x7: {  	_ = 	snop  }
__scs_overlays_trampoline_lowered:
0x8: {  	[smem:$0x3FA4] =	sst s0  }
0x9: {  	[smem:$0x3FA5] =	sst s1  }
0xa: {  	[smem:$0x3FA6] =	sst s2  }
0xb: {  	[smem:$0x3FA7] =	sst s3  }
0xc: {  	[smem:$0x3FA8] =	sst s4  }
0xd: {  	[smem:$0x3FA9] =	sst s5  }
0xe: {  	[smem:$0x3FAA] =	sst s6  }
0xf: {  	[smem:$0x3FAB] =	sst s7  }
0x10: {  	[smem:$0x3FAC] =	sst s8  }
0x11: {  	[smem:$0x3FAD] =	sst s9;
	s0 =	simm.s32 @!p0 $0x0  }
0x12: {  	s1 =	sld [smem:$0x3F93];
	s0 =	simm.s32 @p0 $0x1  }
0x13: {  	[smem:$0x3FAE] =	sst s0;
	s0 =	simm.s32 @!p1 $0x0  }
0x14: {  	s2 =	sld [smem:$0x3F92];
	s0 =	simm.s32 @p1 $0x1  }
0x15: {  	[smem:$0x3FAF] =	sst s0;
	s0 =	simm.s32 @!p2 $0x0  }
0x16: {  	s3 =	sld [smem:$0x3FDB];
	s0 =	simm.s32 @p2 $0x1  }
0x17: {  	s4 =	simm.s32 $0x1BF5;
	[smem:$0x3FB1] =	sst s0  }
0x18: {  	s0 =	sld [smem:$0x3F94];
	_ =	swait.ge [sflag:s4], $0x0  }
0x19: {  	s7 =	sld [smem:$0x3F95]  }
0x1a: {  	s8 =	sadd.s32 $0xFFFFE003, lr  }
0x1b: {  	s9 =	sadd.s32 $0xFFFFFEF7, lr;
	s5 =	simm.s32 $0xFFFFFFFF;
	p2 =	slt.u32 s8, $0xFFFFF086  }
0x1c: {  	p1 =	slt.u32 s9, $0xF7A;
	s5 =	simm.s32 @!p2 $0x0  }
0x1d: {  	s5 =	simm.s32 @p1 $0x1;
	p0 =	seq.s32 s7, s2  }
0x1e: {  	s7 =	smul.u32 @!p0 $0xF7A, s2;
	p2 =	seq.s32 @!p0 s5, $0x0  }
0x1f: {  	s9 =	smul.u32 $0xF7A, s1;
	s8 =	simm.s32 @!p0 $0x1BF5;
	p2 =	por !p2, p0  }
0x20: {  	[sflag:s8] =	ssyncset.s32 @!p0 $0xFFFFF086;
	s6 =	sadd.s32 @!p0 s3, s7;
	s7 =	simm.s32 @!p0 $0x108  }
0x21: {  	s3 =	sadd.s32 s3, s9;
	s6 =	sadd.s32 @!p0 $0x88, s6;
	s7 =	simm.s32 @p2 $0x1082  }
0x22: {  	[simem:s7], [sflag:s8] =	dma.local @!p0 [hbm:s6], $0xF7A  }
0x23: {  	s9 =	sor.u32 $0xD0000000, s2;
	s6 =	simm.s32 $0x108;
	_ =	swait.ge @!p0 [sflag:s8], $0x0  }
0x24: {  	s3 =	sadd.s32 $0x88, s3;
	s6 =	simm.s32 @!p1 $0x1082;
	[sflag:s4] =	ssyncset.s32 $0xFFFFF086  }
0x25: {  	[simem:s6], [sflag:s4] =	dma.local [hbm:s3], $0xF7A  }
0x26: {  	[smem:$0x3F95] =	sst s1;
	(tag) =	ssettag s2;
	_ =	strace s9  }
0x27: {  	s1 =	sld [smem:$0x3FA5]  }
0x28: {  	s2 =	sld [smem:$0x3FA6]  }
0x29: {  	s4 =	sld [smem:$0x3FA8]  }
0x2a: {  	p0 =	seq.s32 s5, $0x0;
	s5 =	sld [smem:$0x3FA9]  }
0x2b: {  	s6 =	sld [smem:$0x3FAA]  }
0x2c: {  	s7 =	sld [smem:$0x3FAB]  }
0x2d: {  	s3 =	simm.s32 $0x108;
	s8 =	sld [smem:$0x3FAC]  }
0x2e: {  	s3 =	simm.s32 @!p0 $0x1082;
	s9 =	sld [smem:$0x3FAD]  }
0x2f: {  	lr =	sadd.s32 s0, s3;
	s0 =	sld [smem:$0x3FA4]  }
0x30: {  	s3 =	sld [smem:$0x3FA7]  }
0x31: {  	[smem:$0x3FB0] =	sst s10  }
0x32: {  	s10 =	sld [smem:$0x3FAE];
	_ =	sdelay $0x3  }
0x33: {  	p0 =	seq.s32 s10, $0x1;
	s10 =	sld [smem:$0x3FB0];
	_ =	sdelay $0x3  }
0x34: {  	[smem:$0x3FB0] =	sst s10  }
0x35: {  	s10 =	sld [smem:$0x3FAF];
	_ =	sdelay $0x3  }
0x36: {  	p1 =	seq.s32 s10, $0x1;
	s10 =	sld [smem:$0x3FB0];
	_ =	sdelay $0x3  }
0x37: {  	[smem:$0x3FB0] =	sst s10  }
0x38: {  	s10 =	sld [smem:$0x3FB1]  }
0x39: {  	_ = 	snop;
	(pc) =	sbr.ind lr, $3  }
0x3a: {  	_ = 	snop  }
0x3b: {  	_ = 	snop  }
0x3c: {  	p2 =	seq.s32 s10, $0x1;
	s10 =	sld [smem:$0x3FB0]  }
0x3d: {  	_ =	shalt  }
0x3e: {  	_ =	shalt  }
0x3f: {  	_ =	shalt  }
0x40: {  	_ =	shalt  }
0x41: {  	_ =	shalt  }
0x42: {  	_ =	shalt  }
0x43: {  	_ =	shalt  }
0x44: {  	_ =	shalt  }
0x45: {  	_ =	shalt  }
0x46: {  	_ =	shalt  }
0x47: {  	_ =	shalt  }
0x48: {  	_ =	shalt  }
0x49: {  	_ =	shalt  }
0x4a: {  	_ =	shalt  }
0x4b: {  	_ =	shalt  }
0x4c: {  	_ =	shalt  }
0x4d: {  	_ =	shalt  }
0x4e: {  	_ =	shalt  }
0x4f: {  	_ =	shalt  }
0x50: {  	_ =	shalt  }
0x51: {  	_ =	shalt  }
0x52: {  	_ =	shalt  }
0x53: {  	_ =	shalt  }
0x54: {  	_ =	shalt  }
0x55: {  	_ =	shalt  }
0x56: {  	_ =	shalt  }
0x57: {  	_ =	shalt  }
0x58: {  	_ =	shalt  }
0x59: {  	_ =	shalt  }
0x5a: {  	_ =	shalt  }
0x5b: {  	_ =	shalt  }
0x5c: {  	_ =	shalt  }
0x5d: {  	_ =	shalt  }
0x5e: {  	_ =	shalt  }
0x5f: {  	_ =	shalt  }
0x60: {  	_ =	shalt  }
0x61: {  	_ =	shalt  }
0x62: {  	_ =	shalt  }
0x63: {  	_ =	shalt  }
0x64: {  	_ =	shalt  }
0x65: {  	_ =	shalt  }
0x66: {  	_ =	shalt  }
0x67: {  	_ =	shalt  }
0x68: {  	_ =	shalt  }
0x69: {  	_ =	shalt  }
0x6a: {  	_ =	shalt  }
0x6b: {  	_ =	shalt  }
0x6c: {  	_ =	shalt  }
0x6d: {  	_ =	shalt  }
0x6e: {  	_ =	shalt  }
0x6f: {  	_ =	shalt  }
0x70: {  	_ =	shalt  }
0x71: {  	_ =	shalt  }
0x72: {  	_ =	shalt  }
0x73: {  	_ =	shalt  }
0x74: {  	_ =	shalt  }
0x75: {  	_ =	shalt  }
0x76: {  	_ =	shalt  }
0x77: {  	_ =	shalt  }
0x78: {  	_ =	shalt  }
0x79: {  	_ =	shalt  }
0x7a: {  	_ =	shalt  }
0x7b: {  	_ =	shalt  }
0x7c: {  	_ =	shalt  }
0x7d: {  	_ =	shalt  }
0x7e: {  	_ =	shalt  }
0x7f: {  	_ =	shalt  }
0x80: {  	_ =	shalt  }
0x81: {  	_ =	shalt  }
0x82: {  	_ =	shalt  }
0x83: {  	_ =	shalt  }
0x84: {  	_ =	shalt  }
0x85: {  	_ =	shalt  }
0x86: {  	_ =	shalt  }
0x87: {  	_ =	shalt  }
.Lfunc_end0:
.L_simem_size_0:
called_computation_lowered:
.L_overlay_start_0:
0x88: {  	s2 =	sld [smem:$0x3FD9]  }
0x89: {  	s3 =	sld [smem:$0x3FFE];
	_ =	sdelay $0x1  }
0x8a: {  	s1 =	srdreg.scid  }
0x8b: {  	s0 =	sand.u32 $0x1, s1  }
0x8c: {  	s17 =	sshll.u32 s0, $0xA;
	s2 =	sadd.s32 s3, s2  }
0x8d: {  	s2 =	sadd.s32 s2, s17  }
0x8e: {  	[smem:$0x3FBC] =	sst s2  }
0x8f: {  	_ = 	snop  }
0x90: {  	s2 =	sld [smem:$0x3FC9]  }
0x91: {  	s18 =	sld [smem:$0x3FD0];
	(tm) =	ssettm $0x1  }
0x92: {  	s4 =	sld [smem:$0x3FFB];
	_ =	sdelay $0x3  }
0x93: {  	_ =	strace s4  }
0x94: {  	s4 =	sld [smem:$0x3FFC];
	_ =	sdelay $0x3  }
0x95: {  	_ =	strace s4  }
0x96: {  	s4 =	sld [smem:$0x3FFD];
	_ =	sdelay $0x3  }
0x97: {  	_ =	strace s4  }
0x98: {  	_ =	strace $0x8FFFFFFF  }
0x99: {  	s19 =	sld [smem:$0x3FDB];
	_ =	sdelay $0x1  }
0x9a: {  	s5 =	simm.s32 $_scs_section_size  }
0x9b: {  	s6 =	simm.s32 $_size__tile_overlayer_lowered;
	s7 =	simm.s32 $_tile_overlayer_lowered  }
0x9c: {  	s22 =	simm.s32 $0x1BFF;
	s21 =	sshll.u32 s7, $0x1;
	s4 =	sadd.s32 s5, s19  }
0x9d: {  	s8 =	simm.s32 $0x0;
	s20 =	sshll.u32 s6, $0x1;
	s6 =	sadd.s32 s21, s4  }
0x9e: {  	[timem:s8], [sflag:s22] =	dma.local [hbm:s6], s20  }
0x9f: {  	_ =	swait.ge [sflag:s22], s20  }
0xa0: {  	s5 =	ssub.s32 $0x0, s20;
	[sflag:s22] =	ssyncset.done $0x0  }
0xa1: {  	[sflag:s22] =	ssyncadd.s32 s5;
	_ =	sdelay $0x1  }
0xa2: {  	s23 =	simm.s32 $0x1B8B  }
0xa3: {  	_ =	swait.ge [sflag:s23], $0x1  }
0xa4: {  	[sflag:s23] =	ssyncset.done $0x0  }
0xa5: {  	s25 =	simm.s32 $0x1B8E;
	s24 =	sld [smem:$0x3FFE];
	[sflag:s23] =	ssyncadd.s32 $0xFFFFFFFF  }
0xa6: {  	s26 =	simm.s32 $execute0_lowered;
	[smem:$0x3FD2] =	sst s25  }
0xa7: {  	s6 =	sshll.u32 s26, $0x1;
	_ =	strace $0x80000046;
	[dreg:$0x1] =	wrdreg $0xFFFFFFFF  }
0xa8: {  	s28 =	simm.s32 $_size_execute0_lowered;
	s4 =	sadd.s32 s4, s6;
	[dreg:$0x0] =	wrdreg $0x0  }
0xa9: {  	s6 =	sshll.u32 s28, $0x1;
	[dreg:$0x2] =	wrdreg s4  }
0xaa: {  	[dreg:$0x3] =	wrdreg s6  }
0xab: {  	[dreg:$0x4] =	wrdreg $0xC0  }
0xac: {  	_ =	task [dreg:s8], $0x5FFFF  }
0xad: {  	[dreg:$0x1] =	wrdreg $0xFFFFFFFF  }
0xae: {  	[dreg:$0x0] =	wrdreg $0x60  }
0xaf: {  	[dreg:$0x2] =	wrdreg s2  }
0xb0: {  	[dreg:$0x3] =	wrdreg s18  }
0xb1: {  	[dreg:$0x4] =	wrdreg s24  }
0xb2: {  	[dreg:$0x5] =	wrdreg $0x9  }
0xb3: {  	_ =	task.clear_ibuf [dreg:s8], $0x6FFFF;
	_ =	strace $0x90000046  }
0xb4: {  	s29 =	simm.s32 $0x9;
	_ =	strace $0x80000048  }
0xb5: {  	_ =	swait.ge [sflag:s29], $0x1  }
0xb6: {  	[sflag:s29] =	ssyncadd.s32 $0xFFFFFFFF  }
0xb7: {  	_ =	strace $0x90000048  }
0xb8: {  	_ =	sfence  }
0xb9: {  	s30 =	sld [smem:$0x0];
	_ =	sdelay $0x2  }
0xba: {  	s31 =	sshll.u32 s1, $0xD;
	s1 =	sshrl.u32 s1, $0x2  }
0xbb: {  	s3 =	sand.u32 $0x4000, s31;
	s1 =	sadd.s32 s1, s30  }
0xbc: {  	s0 =	sor.u32 s3, s0;
	s1 =	sshll.u32 s1, $0x11  }
0xbd: {  	s0 =	sor.u32 s1, s0  }
0xbe: {  	s0 =	sadd.s32 $0x8F2B, s0  }
0xbf: {  	[sflag:s0] =	ssyncadd.remote.s32 $0x1  }
0xc0: {  	_ =	sfence.sel $0xFFFF  }
0xc1: {  	[dreg:$0x0] =	wrdreg $0xFFFFFFFF;
	(pc) =	sbr.abs _section_cstart, $3  }
0xc2: {  	[dreg:$0x1] =	wrdreg $0xFFFFFFFF  }
0xc3: {  	_ =	task.clear_ibuf [dreg:s8], $0x2FFFF;
	_ =	strace $0x9FFFFFFF  }
0xc4: {  	(tm) =	ssettm $0x7FFFFFFF  }
0xc5: {  	_ =	shalt  }
tec
execute0_lowered:
.L_overlay_start_1:
0x0: {  	(tag) =	ssettag $0x1  }
0x1: {  	s1 =	rddreg [dreg:$0x0]  }
0x2: {  	s4 =	rddreg [dreg:$0x1]  }
0x3: {  	s9 =	rddreg [dreg:$0x2]  }
0x4: {  	s0 =	rddreg [dreg:$0x3]  }
0x5: {  	s3 =	simm.s32 $0x0;
	s5 =	srdreg.scid;
	s2 =	stileid.u32  }
0x6: {  	s12 =	simm.s32 $0x4000;
	s13 =	simm.s32 $0x1;
	s14 =	simm.s32 $0x80  }
0x7: {  	s15 =	simm.s32 $0x5400;
	s16 =	simm.s32 $0x2;
	s17 =	simm.s32 $0x3  }
0x8: {  	s18 =	simm.s32 $0x4;
	s19 =	simm.s32 $0x3E00;
	s20 =	simm.s32 $0x0  }
0x9: {  	[smem:$0x7FF] =	sst s3;
	s7 =	sand.u32 $0x1, s5;
	s30 =	sshll.u32 s2, $0x1  }
0xa: {  	s31 =	smul.u32 $0x27100, s2;
	s6 =	ssub.s32 $0x2, s7;
	s5 =	sor.u32 s7, s30  }
0xb: {  	s8 =	sshrl.u32 s6, $0x1;
	s10 =	sshll.u32 s5, $0xB;
	s5 =	smul.u32 $0x13880, s5  }
0xc: {  	_ =	strace $0x80000047;
	s11 =	smul.u32 $0x13880, s7;
	s6 =	ssub.s32 s6, s8  }
0xd: {  	s4 =	sadd.s32 s4, s10;
	s10 =	simm.s32 $0x5;
	s5 =	sadd.s32 s9, s5  }
0xe: {  	s6 =	smax.u32 s6, $0x1;
	s9 =	sadd.s32 s31, s9;
	s7 =	sadd.s32 $0x13380, s5  }
0xf: {  	s8 =	sadd.s32 $0x13600, s5;
	s9 =	sadd.s32 s11, s9;
	s11 =	simm.s32 $0x28  }
.LBB2_1:
0x10: {  	[tilespmem:s3], [sflag:$0x5] =	stream.linear.gather [hbm4b:s4+s3], $0x3E80, $0x38;
	[tilespmem:$0x6800] =	vst v63  }
0x11: {  	_ =	swait.ge [sflag:s10], $0x3E80  }
0x12: {  	[sflag:s10] =	ssyncset.done $0x0  }
0x13: {  	[sflag:s10] =	ssyncadd.s32 $0xFFFFC180  }
0x14: {  	[tilespmem:s12], [sflag:$0x1] =	stream.indirect.gather [hbm4b:s1+s11], $0x80, s3, s11, $0xb8;
	[tilespmem:$0x6800] =	vst v63  }
0x15: {  	_ =	swait.ge [sflag:s13], $0x1400  }
0x16: {  	[sflag:s13] =	ssyncset.done $0x0  }
0x17: {  	[sflag:s13] =	ssyncadd.s32 $0xFFFFEC00  }
0x18: {  	[hbm4b:s5+s3] =	stream.linear.scatter [tilespmem:s12], [sflag:$0x3], $0x1400, $0x38;
	[tilespmem:$0x6800] =	vst v63  }
0x19: {  	_ = 	snop  }
0x1a: {  	[tilespmem:s15], [sflag:$0x2] =	stream.indirect.gather [hbm4b:s1+s11], $0x80, s14, s11, $0xb8;
	[tilespmem:$0x6800] =	vst v63  }
0x1b: {  	_ =	swait.ge [sflag:s16], $0x1400  }
0x1c: {  	s21 =	sadd.s32 $0x0, s9;
	[sflag:s16] =	ssyncset.done $0x0  }
0x1d: {  	s22 =	sadd.s32 $0x280, s21;
	[sflag:s16] =	ssyncadd.s32 $0xFFFFEC00  }
0x1e: {  	[hbm4b:s22+s3] =	stream.linear.scatter [tilespmem:s15], [sflag:$0x4], $0x1400, $0x38;
	[tilespmem:$0x6800] =	vst v63  }
0x1f: {  	_ =	swait.ge [sflag:s17], $0x1400  }
0x20: {  	[sflag:s17] =	ssyncset.done $0x0  }
0x21: {  	s31 =	simm.s32 $0x100;
	[sflag:s17] =	ssyncadd.s32 $0xFFFFEC00  }
0x22: {  	[tilespmem:s12], [sflag:$0x1] =	stream.indirect.gather [hbm4b:s1+s11], $0x80, s31, s11, $0xb8;
	[tilespmem:$0x6800] =	vst v63  }
0x23: {  	_ =	swait.ge [sflag:s13], $0x1400  }
0x24: {  	[sflag:s13] =	ssyncset.done $0x0  }
0x25: {  	s21 =	sadd.s32 $0x500, s21;
	[sflag:s13] =	ssyncadd.s32 $0xFFFFEC00  }
0x26: {  	[hbm4b:s21+s3] =	stream.linear.scatter [tilespmem:s12], [sflag:$0x3], $0x1400, $0x38;
	[tilespmem:$0x6800] =	vst v63  }
0x27: {  	_ =	swait.ge [sflag:s18], $0x1400  }
0x28: {  	s23 =	simm.s32 $0x180;
	[sflag:s18] =	ssyncset.done $0x0  }
0x29: {  	s22 =	simm.s32 $0x200;
	s21 =	simm.s32 $0x500;
	[sflag:s18] =	ssyncadd.s32 $0xFFFFEC00  }
.LBB2_2:
0x2a: {  	[tilespmem:s15], [sflag:$0x2] =	stream.indirect.gather [hbm4b:s1+s11], $0x80, s23, s11, $0xb8;
	[tilespmem:$0x6800] =	vst v63  }
0x2b: {  	s23 =	smov.u32 s21  }
0x2c: {  	p0 =	sne.s32 s21, $0x12C00;
	s21 =	sadd.s32 $0x500, s21;
	_ =	swait.ge [sflag:s16], $0x1400  }
0x2d: {  	s23 =	sadd.s32 s23, s9;
	[sflag:s16] =	ssyncset.done $0x0  }
0x2e: {  	s24 =	sadd.s32 $0x280, s23;
	[sflag:s16] =	ssyncadd.s32 $0xFFFFEC00  }
0x2f: {  	[hbm4b:s24+s3] =	stream.linear.scatter [tilespmem:s15], [sflag:$0x4], $0x1400, $0x38;
	[tilespmem:$0x6800] =	vst v63  }
0x30: {  	_ =	swait.ge [sflag:s17], $0x1400  }
0x31: {  	[sflag:s17] =	ssyncset.done $0x0  }
0x32: {  	[sflag:s17] =	ssyncadd.s32 $0xFFFFEC00  }
0x33: {  	[tilespmem:s12], [sflag:$0x1] =	stream.indirect.gather [hbm4b:s1+s11], $0x80, s22, s11, $0xb8;
	[tilespmem:$0x6800] =	vst v63  }
0x34: {  	_ =	swait.ge [sflag:s13], $0x1400  }
0x35: {  	[sflag:s13] =	ssyncset.done $0x0  }
.Ltmp0:
0x36: {  	s23 =	sadd.s32 $0x500, s23;
	[sflag:s13] =	ssyncadd.s32 $0xFFFFEC00;
	(pc) =	sbr.rel @p0 .LBB2_2-.Ltmp0, $4  }
0x37: {  	[hbm4b:s23+s3] =	stream.linear.scatter [tilespmem:s12], [sflag:$0x3], $0x1400, $0x38;
	[tilespmem:$0x6800] =	vst v63  }
0x38: {  	_ =	swait.ge [sflag:s18], $0x1400  }
0x39: {  	[sflag:s18] =	ssyncset.done $0x0  }
0x3a: {  	s23 =	sadd.s32 $0x80, s22;
	s22 =	sadd.s32 $0x100, s22;
	[sflag:s18] =	ssyncadd.s32 $0xFFFFEC00  }
0x3b: {  	[tilespmem:s15], [sflag:$0x2] =	stream.indirect.gather [hbm4b:s1+s11], $0x80, s23, s11, $0xb8;
	[tilespmem:$0x6800] =	vst v63  }
0x3c: {  	_ =	swait.ge [sflag:s16], $0x1400  }
0x3d: {  	[sflag:s16] =	ssyncset.done $0x0  }
0x3e: {  	[sflag:s16] =	ssyncadd.s32 $0xFFFFEC00  }
0x3f: {  	[hbm4b:s7+s3] =	stream.linear.scatter [tilespmem:s15], [sflag:$0x4], $0x1400, $0x38;
	[tilespmem:$0x6800] =	vst v63  }
0x40: {  	_ =	swait.ge [sflag:s17], $0x1400  }
0x41: {  	[sflag:s17] =	ssyncset.done $0x0  }
0x42: {  	[sflag:s17] =	ssyncadd.s32 $0xFFFFEC00  }
0x43: {  	[tilespmem:s12], [sflag:$0x1] =	stream.indirect.gather [hbm4b:s1+s11], $0x80, s19, s11, $0xb8;
	[tilespmem:$0x6800] =	vst v63  }
0x44: {  	_ =	swait.ge [sflag:s13], $0x1400  }
0x45: {  	[sflag:s13] =	ssyncset.done $0x0  }
0x46: {  	s20 =	sadd.s32 $0x1, s20;
	[sflag:s13] =	ssyncadd.s32 $0xFFFFEC00  }
0x47: {  	[hbm4b:s8+s3] =	stream.linear.scatter [tilespmem:s12], [sflag:$0x3], $0x1400, $0x38;
	[tilespmem:$0x6800] =	vst v63  }
0x48: {  	p0 =	sne.s32 s20, s6;
	_ =	swait.ge [sflag:s18], $0x1400  }
.Ltmp1:
0x49: {  	[sflag:s18] =	ssyncset.done $0x0;
	(pc) =	sbr.rel @p0 .LBB2_1-.Ltmp1, $4  }
0x4a: {  	[sflag:s18] =	ssyncadd.s32 $0xFFFFEC00  }
0x4b: {  	_ =	swait.ge [sflag:s17], $0x1400  }
0x4c: {  	[sflag:s17] =	ssyncset.done $0x0  }
0x4d: {  	[sflag:s17] =	ssyncadd.s32 $0xFFFFEC00  }
0x4e: {  	_ =	sfence.sel $0x180000  }
0x4f: {  	[bflag:$0x0] =	sbarrier.arrive $0xFFFF  }
0x50: {  	p0 =	sne.s32 s2, $0x0;
	_ =	strace $0x90000047  }
0x51: {  	s0 =	sadd.s32 @!p0 $0x100000, s0;
	[bflag:$0x2] =	sbarrier.arrive $0xFFFF  }
0x52: {  	[sflag:s0] =	ssyncadd.tile.s32 @!p0 $0x1;
	_ =	shalt  }
.Lfunc_end2:
_tile_overlayer_lowered:
.L_overlay_start_2:
0x53: {  	(tag) =	ssettag $0x2  }
0x54: {  	s0 =	rddreg [dreg:$0x0];
	s2 =	stileid.u32  }
0x55: {  	s1 =	rddreg [dreg:$0x1];
	p0 =	sne.s32 s2, $0x0  }
0x56: {  	s3 =	rddreg [dreg:$0x2];
	[bflag:$0x3] =	sbarrier.arrive $0xFFFF;
	s2 =	simm.s32 @!p0 $0x1C05  }
0x57: {  	[timem:s3], [sflag:s2] =	dma.local @!p0 [hbm:s0], s1  }
0x58: {  	s0 =	simm.s32 @!p0 $0x5  }
0x59: {  	_ =	swait.ge @!p0 [sflag:s0], s1  }
0x5a: {  	s1 =	ssub.s32 @!p0 $0x0, s1;
	[sflag:s0] =	ssyncset.done @!p0 $0x0  }
0x5b: {  	[sflag:s0] =	ssyncadd.s32 @!p0 s1  }
0x5c: {  	[bflag:$0x3] =	sbarrier.arrive $0xFFFF  }
0x5d: {  	_ =	shalt  }

// kernel: kernel.9.cloned.1.call-start
scs
__scs_entry_jumppad:
0x0: {  	(pc) =	sbr.rel $0x88, $3  }
0x1: {  	(tag) =	ssettag $0x0;
	lr =	simm.s32 $0x1  }
0x2: {  	[smem:$0x3F95] =	sst lr;
	_ =	strace $0xD0000000  }
0x3: {  	_ = 	snop  }
0x4: {  	_ = 	snop  }
0x5: {  	_ = 	snop  }
0x6: {  	_ = 	snop  }
0x7: {  	_ = 	snop  }
__scs_overlays_trampoline_lowered:
0x8: {  	[smem:$0x3FA4] =	sst s0  }
0x9: {  	[smem:$0x3FA5] =	sst s1  }
0xa: {  	[smem:$0x3FA6] =	sst s2  }
0xb: {  	[smem:$0x3FA7] =	sst s3  }
0xc: {  	[smem:$0x3FA8] =	sst s4  }
0xd: {  	[smem:$0x3FA9] =	sst s5  }
0xe: {  	[smem:$0x3FAA] =	sst s6  }
0xf: {  	[smem:$0x3FAB] =	sst s7  }
0x10: {  	[smem:$0x3FAC] =	sst s8  }
0x11: {  	[smem:$0x3FAD] =	sst s9;
	s0 =	simm.s32 @!p0 $0x0  }
0x12: {  	s1 =	sld [smem:$0x3F93];
	s0 =	simm.s32 @p0 $0x1  }
0x13: {  	[smem:$0x3FAE] =	sst s0;
	s0 =	simm.s32 @!p1 $0x0  }
0x14: {  	s2 =	sld [smem:$0x3F92];
	s0 =	simm.s32 @p1 $0x1  }
0x15: {  	[smem:$0x3FAF] =	sst s0;
	s0 =	simm.s32 @!p2 $0x0  }
0x16: {  	s3 =	sld [smem:$0x3FDB];
	s0 =	simm.s32 @p2 $0x1  }
0x17: {  	s4 =	simm.s32 $0x1BF5;
	[smem:$0x3FB1] =	sst s0  }
0x18: {  	s0 =	sld [smem:$0x3F94];
	_ =	swait.ge [sflag:s4], $0x0  }
0x19: {  	s7 =	sld [smem:$0x3F95]  }
0x1a: {  	s8 =	sadd.s32 $0xFFFFE003, lr  }
0x1b: {  	s9 =	sadd.s32 $0xFFFFFEF7, lr;
	s5 =	simm.s32 $0xFFFFFFFF;
	p2 =	slt.u32 s8, $0xFFFFF086  }
0x1c: {  	p1 =	slt.u32 s9, $0xF7A;
	s5 =	simm.s32 @!p2 $0x0  }
0x1d: {  	s5 =	simm.s32 @p1 $0x1;
	p0 =	seq.s32 s7, s2  }
0x1e: {  	s7 =	smul.u32 @!p0 $0xF7A, s2;
	p2 =	seq.s32 @!p0 s5, $0x0  }
0x1f: {  	s9 =	smul.u32 $0xF7A, s1;
	s8 =	simm.s32 @!p0 $0x1BF5;
	p2 =	por !p2, p0  }
0x20: {  	[sflag:s8] =	ssyncset.s32 @!p0 $0xFFFFF086;
	s6 =	sadd.s32 @!p0 s3, s7;
	s7 =	simm.s32 @!p0 $0x108  }
0x21: {  	s3 =	sadd.s32 s3, s9;
	s6 =	sadd.s32 @!p0 $0x88, s6;
	s7 =	simm.s32 @p2 $0x1082  }
0x22: {  	[simem:s7], [sflag:s8] =	dma.local @!p0 [hbm:s6], $0xF7A  }
0x23: {  	s9 =	sor.u32 $0xD0000000, s2;
	s6 =	simm.s32 $0x108;
	_ =	swait.ge @!p0 [sflag:s8], $0x0  }
0x24: {  	s3 =	sadd.s32 $0x88, s3;
	s6 =	simm.s32 @!p1 $0x1082;
	[sflag:s4] =	ssyncset.s32 $0xFFFFF086  }
0x25: {  	[simem:s6], [sflag:s4] =	dma.local [hbm:s3], $0xF7A  }
0x26: {  	[smem:$0x3F95] =	sst s1;
	(tag) =	ssettag s2;
	_ =	strace s9  }
0x27: {  	s1 =	sld [smem:$0x3FA5]  }
0x28: {  	s2 =	sld [smem:$0x3FA6]  }
0x29: {  	s4 =	sld [smem:$0x3FA8]  }
0x2a: {  	p0 =	seq.s32 s5, $0x0;
	s5 =	sld [smem:$0x3FA9]  }
0x2b: {  	s6 =	sld [smem:$0x3FAA]  }
0x2c: {  	s7 =	sld [smem:$0x3FAB]  }
0x2d: {  	s3 =	simm.s32 $0x108;
	s8 =	sld [smem:$0x3FAC]  }
0x2e: {  	s3 =	simm.s32 @!p0 $0x1082;
	s9 =	sld [smem:$0x3FAD]  }
0x2f: {  	lr =	sadd.s32 s0, s3;
	s0 =	sld [smem:$0x3FA4]  }
0x30: {  	s3 =	sld [smem:$0x3FA7]  }
0x31: {  	[smem:$0x3FB0] =	sst s10  }
0x32: {  	s10 =	sld [smem:$0x3FAE];
	_ =	sdelay $0x3  }
0x33: {  	p0 =	seq.s32 s10, $0x1;
	s10 =	sld [smem:$0x3FB0];
	_ =	sdelay $0x3  }
0x34: {  	[smem:$0x3FB0] =	sst s10  }
0x35: {  	s10 =	sld [smem:$0x3FAF];
	_ =	sdelay $0x3  }
0x36: {  	p1 =	seq.s32 s10, $0x1;
	s10 =	sld [smem:$0x3FB0];
	_ =	sdelay $0x3  }
0x37: {  	[smem:$0x3FB0] =	sst s10  }
0x38: {  	s10 =	sld [smem:$0x3FB1]  }
0x39: {  	_ = 	snop;
	(pc) =	sbr.ind lr, $3  }
0x3a: {  	_ = 	snop  }
0x3b: {  	_ = 	snop  }
0x3c: {  	p2 =	seq.s32 s10, $0x1;
	s10 =	sld [smem:$0x3FB0]  }
0x3d: {  	_ =	shalt  }
0x3e: {  	_ =	shalt  }
0x3f: {  	_ =	shalt  }
0x40: {  	_ =	shalt  }
0x41: {  	_ =	shalt  }
0x42: {  	_ =	shalt  }
0x43: {  	_ =	shalt  }
0x44: {  	_ =	shalt  }
0x45: {  	_ =	shalt  }
0x46: {  	_ =	shalt  }
0x47: {  	_ =	shalt  }
0x48: {  	_ =	shalt  }
0x49: {  	_ =	shalt  }
0x4a: {  	_ =	shalt  }
0x4b: {  	_ =	shalt  }
0x4c: {  	_ =	shalt  }
0x4d: {  	_ =	shalt  }
0x4e: {  	_ =	shalt  }
0x4f: {  	_ =	shalt  }
0x50: {  	_ =	shalt  }
0x51: {  	_ =	shalt  }
0x52: {  	_ =	shalt  }
0x53: {  	_ =	shalt  }
0x54: {  	_ =	shalt  }
0x55: {  	_ =	shalt  }
0x56: {  	_ =	shalt  }
0x57: {  	_ =	shalt  }
0x58: {  	_ =	shalt  }
0x59: {  	_ =	shalt  }
0x5a: {  	_ =	shalt  }
0x5b: {  	_ =	shalt  }
0x5c: {  	_ =	shalt  }
0x5d: {  	_ =	shalt  }
0x5e: {  	_ =	shalt  }
0x5f: {  	_ =	shalt  }
0x60: {  	_ =	shalt  }
0x61: {  	_ =	shalt  }
0x62: {  	_ =	shalt  }
0x63: {  	_ =	shalt  }
0x64: {  	_ =	shalt  }
0x65: {  	_ =	shalt  }
0x66: {  	_ =	shalt  }
0x67: {  	_ =	shalt  }
0x68: {  	_ =	shalt  }
0x69: {  	_ =	shalt  }
0x6a: {  	_ =	shalt  }
0x6b: {  	_ =	shalt  }
0x6c: {  	_ =	shalt  }
0x6d: {  	_ =	shalt  }
0x6e: {  	_ =	shalt  }
0x6f: {  	_ =	shalt  }
0x70: {  	_ =	shalt  }
0x71: {  	_ =	shalt  }
0x72: {  	_ =	shalt  }
0x73: {  	_ =	shalt  }
0x74: {  	_ =	shalt  }
0x75: {  	_ =	shalt  }
0x76: {  	_ =	shalt  }
0x77: {  	_ =	shalt  }
0x78: {  	_ =	shalt  }
0x79: {  	_ =	shalt  }
0x7a: {  	_ =	shalt  }
0x7b: {  	_ =	shalt  }
0x7c: {  	_ =	shalt  }
0x7d: {  	_ =	shalt  }
0x7e: {  	_ =	shalt  }
0x7f: {  	_ =	shalt  }
0x80: {  	_ =	shalt  }
0x81: {  	_ =	shalt  }
0x82: {  	_ =	shalt  }
0x83: {  	_ =	shalt  }
0x84: {  	_ =	shalt  }
0x85: {  	_ =	shalt  }
0x86: {  	_ =	shalt  }
0x87: {  	_ =	shalt  }
.Lfunc_end0:
.L_simem_size_0:
called_computation.1_lowered:
.L_overlay_start_0:
0x88: {  	s2 =	sld [smem:$0x3FD9]  }
0x89: {  	s3 =	sld [smem:$0x3FFE];
	_ =	sdelay $0x1  }
0x8a: {  	s1 =	srdreg.scid  }
0x8b: {  	s0 =	sand.u32 $0x1, s1  }
0x8c: {  	s17 =	sshll.u32 s0, $0xA;
	s2 =	sadd.s32 s3, s2  }
0x8d: {  	s2 =	sadd.s32 s2, s17  }
0x8e: {  	[smem:$0x3FBC] =	sst s2  }
0x8f: {  	_ = 	snop  }
0x90: {  	s18 =	sld [smem:$0x3FC9];
	(tm) =	ssettm $0x1  }
0x91: {  	s19 =	sld [smem:$0x3FFB];
	_ =	sdelay $0x3  }
0x92: {  	_ =	strace s19  }
0x93: {  	s2 =	sld [smem:$0x3FFC];
	_ =	sdelay $0x3  }
0x94: {  	_ =	strace s2  }
0x95: {  	s2 =	sld [smem:$0x3FFD];
	_ =	sdelay $0x3  }
0x96: {  	_ =	strace s2  }
0x97: {  	_ =	strace $0x8FFFFFFF  }
0x98: {  	s20 =	sld [smem:$0x3FDB];
	_ =	sdelay $0x1  }
0x99: {  	s4 =	simm.s32 $_scs_section_size  }
0x9a: {  	s5 =	simm.s32 $_size__tile_overlayer_lowered;
	s6 =	simm.s32 $_tile_overlayer_lowered  }
0x9b: {  	s7 =	simm.s32 $0x1BFF;
	s21 =	sshll.u32 s6, $0x1;
	s4 =	sadd.s32 s4, s20  }
0x9c: {  	s22 =	simm.s32 $0x0;
	s5 =	sshll.u32 s5, $0x1;
	s6 =	sadd.s32 s21, s4  }
0x9d: {  	[timem:s22], [sflag:s7] =	dma.local [hbm:s6], s5  }
0x9e: {  	_ =	swait.ge [sflag:s7], s5  }
0x9f: {  	s5 =	ssub.s32 $0x0, s5;
	[sflag:s7] =	ssyncset.done $0x0  }
0xa0: {  	[sflag:s7] =	ssyncadd.s32 s5;
	_ =	sdelay $0x1  }
0xa1: {  	s23 =	simm.s32 $0x1B8B  }
0xa2: {  	_ =	swait.ge [sflag:s23], $0x1  }
0xa3: {  	[sflag:s23] =	ssyncset.done $0x0  }
0xa4: {  	[sflag:s23] =	ssyncadd.s32 $0xFFFFFFFF  }
0xa5: {  	s5 =	sld [smem:$0x0]  }
0xa6: {  	s6 =	sand.u32 $0xFFFFFFFE, s1  }
0xa7: {  	p0 =	sne.s32 s1, s6  }
0xa8: {  	s6 =	sshll.u32 @p0 s6, $0xE  }
0xa9: {  	s6 =	sadd.s32 @p0 $0x11B8D, s6;
	s7 =	sshll.u32 @p0 s5, $0x11  }
0xaa: {  	s6 =	sor.u32 @p0 s7, s6  }
0xab: {  	[sflag:s6] =	ssyncadd.remote.s32 @p0 $0x1;
	_ =	sdelay $0x1  }
0xac: {  	s6 =	simm.s32 @p0 $0x1B8D  }
0xad: {  	_ =	swait.eq @p0 [sflag:s6], $0x1  }
0xae: {  	[sflag:s6] =	ssyncadd.s32 @p0 $0xFFFFFFFF  }
0xaf: {  	s7 =	sshll.u32 @!p0 s1, $0xE  }
0xb0: {  	s7 =	sor.u32 @!p0 $0x4000, s7;
	s6 =	simm.s32 @!p0 $0x1B8D  }
0xb1: {  	s5 =	sshll.u32 @!p0 s5, $0x11;
	s7 =	sadd.s32 @!p0 $0x11B8D, s7;
	_ =	swait.eq @!p0 [sflag:s6], $0x1  }
0xb2: {  	s5 =	sor.u32 @!p0 s5, s7;
	[sflag:s6] =	ssyncadd.s32 @!p0 $0xFFFFFFFF  }
0xb3: {  	s25 =	simm.s32 $0x1B8E;
	s24 =	sld [smem:$0x3FFE];
	[sflag:s5] =	ssyncadd.remote.s32 @!p0 $0x1  }
0xb4: {  	s26 =	simm.s32 $execute0_lowered;
	[smem:$0x3FD2] =	sst s25  }
0xb5: {  	s6 =	sshll.u32 s26, $0x1;
	_ =	strace $0x80000049;
	[dreg:$0x1] =	wrdreg $0xFFFFFFFF  }
0xb6: {  	s28 =	simm.s32 $_size_execute0_lowered;
	s4 =	sadd.s32 s4, s6;
	[dreg:$0x0] =	wrdreg $0x0  }
0xb7: {  	s6 =	sshll.u32 s28, $0x1;
	[dreg:$0x2] =	wrdreg s4  }
0xb8: {  	[dreg:$0x3] =	wrdreg s6  }
0xb9: {  	[dreg:$0x4] =	wrdreg $0xC0  }
0xba: {  	_ =	task [dreg:s22], $0x5FFFF  }
0xbb: {  	[dreg:$0x1] =	wrdreg $0xFFFFFFFF  }
0xbc: {  	[dreg:$0x0] =	wrdreg $0x60  }
0xbd: {  	[dreg:$0x2] =	wrdreg s18  }
0xbe: {  	[dreg:$0x3] =	wrdreg s24  }
0xbf: {  	[dreg:$0x4] =	wrdreg $0xA  }
0xc0: {  	_ =	task.clear_ibuf [dreg:s22], $0x5FFFF;
	_ =	strace $0x90000049  }
0xc1: {  	s29 =	simm.s32 $0xA;
	_ =	strace $0x8000004B  }
0xc2: {  	_ =	swait.ge [sflag:s29], $0x1  }
0xc3: {  	[sflag:s29] =	ssyncadd.s32 $0xFFFFFFFF  }
0xc4: {  	_ =	strace $0x9000004B  }
0xc5: {  	_ =	sfence  }
0xc6: {  	s30 =	sld [smem:$0x0];
	_ =	sdelay $0x2  }
0xc7: {  	s31 =	sshll.u32 s1, $0xD;
	s1 =	sshrl.u32 s1, $0x2  }
0xc8: {  	s4 =	sand.u32 $0x4000, s31;
	s1 =	sadd.s32 s1, s30  }
0xc9: {  	s0 =	sor.u32 s4, s0;
	s1 =	sshll.u32 s1, $0x11  }
0xca: {  	s0 =	sor.u32 s1, s0  }
0xcb: {  	s0 =	sadd.s32 $0x8F2B, s0  }
0xcc: {  	[sflag:s0] =	ssyncadd.remote.s32 $0x1  }
0xcd: {  	_ =	sfence.sel $0xFFFF  }
0xce: {  	[dreg:$0x0] =	wrdreg $0xFFFFFFFF;
	(pc) =	sbr.abs _section_cstart, $3  }
0xcf: {  	[dreg:$0x1] =	wrdreg $0xFFFFFFFF  }
0xd0: {  	_ =	task.clear_ibuf [dreg:s22], $0x2FFFF;
	_ =	strace $0x9FFFFFFF  }
0xd1: {  	(tm) =	ssettm $0x7FFFFFFF  }
tec
execute0_lowered:
.L_overlay_start_1:
0x0: {  	(tag) =	ssettag $0x1  }
0x1: {  	s2 =	rddreg [dreg:$0x0];
	s1 =	srdreg.scid  }
0x2: {  	s0 =	stileid.u32;
	s4 =	rddreg [dreg:$0x1];
	s3 =	simm.s32 $0x0  }
0x3: {  	s12 =	simm.s32 $0x4000;
	s13 =	simm.s32 $0x1;
	s14 =	simm.s32 $0x80  }
0x4: {  	s15 =	simm.s32 $0x5400;
	s16 =	simm.s32 $0x2;
	s17 =	simm.s32 $0x3  }
0x5: {  	s18 =	simm.s32 $0x4;
	s19 =	simm.s32 $0x3E00;
	s20 =	simm.s32 $0x0  }
0x6: {  	s7 =	sand.u32 $0x1, s1;
	s5 =	sshll.u32 s0, $0x1;
	s1 =	rddreg [dreg:$0x2]  }
0x7: {  	[smem:$0x7FF] =	sst s3;
	s9 =	sadd.s32 $0x281000, s4;
	s10 =	smul.u32 $0x27100, s0  }
0x8: {  	s5 =	sor.u32 s7, s5;
	_ =	strace $0x8000004A;
	s8 =	ssub.s32 $0x2, s7  }
0x9: {  	s6 =	sshll.u32 s5, $0xB;
	s31 =	sshrl.u32 s8, $0x1;
	s5 =	smul.u32 $0x13880, s5  }
0xa: {  	s11 =	smul.u32 $0x13880, s7;
	s6 =	sadd.s32 s6, s4;
	s8 =	ssub.s32 s8, s31  }
0xb: {  	s4 =	sadd.s32 $0x271000, s6;
	s5 =	sadd.s32 s9, s5;
	s6 =	smax.u32 s8, $0x1  }
0xc: {  	s9 =	sadd.s32 s10, s9;
	s10 =	simm.s32 $0x5;
	s7 =	sadd.s32 $0x13380, s5  }
0xd: {  	s8 =	sadd.s32 $0x13600, s5;
	s9 =	sadd.s32 s11, s9;
	s11 =	simm.s32 $0x28  }
.LBB2_1:
0xe: {  	[tilespmem:s3], [sflag:$0x5] =	stream.linear.gather [hbm4b:s4+s3], $0x3E80, $0x38;
	[tilespmem:$0x6800] =	vst v63  }
0xf: {  	_ =	swait.ge [sflag:s10], $0x3E80  }
0x10: {  	[sflag:s10] =	ssyncset.done $0x0  }
0x11: {  	[sflag:s10] =	ssyncadd.s32 $0xFFFFC180  }
0x12: {  	[tilespmem:s12], [sflag:$0x1] =	stream.indirect.gather [hbm4b:s2+s11], $0x80, s3, s11, $0xb8;
	[tilespmem:$0x6800] =	vst v63  }
0x13: {  	_ =	swait.ge [sflag:s13], $0x1400  }
0x14: {  	[sflag:s13] =	ssyncset.done $0x0  }
0x15: {  	[sflag:s13] =	ssyncadd.s32 $0xFFFFEC00  }
0x16: {  	[hbm4b:s5+s3] =	stream.linear.scatter [tilespmem:s12], [sflag:$0x3], $0x1400, $0x38;
	[tilespmem:$0x6800] =	vst v63  }
0x17: {  	_ = 	snop  }
0x18: {  	[tilespmem:s15], [sflag:$0x2] =	stream.indirect.gather [hbm4b:s2+s11], $0x80, s14, s11, $0xb8;
	[tilespmem:$0x6800] =	vst v63  }
0x19: {  	_ =	swait.ge [sflag:s16], $0x1400  }
0x1a: {  	s21 =	sadd.s32 $0x0, s9;
	[sflag:s16] =	ssyncset.done $0x0  }
0x1b: {  	s22 =	sadd.s32 $0x280, s21;
	[sflag:s16] =	ssyncadd.s32 $0xFFFFEC00  }
0x1c: {  	[hbm4b:s22+s3] =	stream.linear.scatter [tilespmem:s15], [sflag:$0x4], $0x1400, $0x38;
	[tilespmem:$0x6800] =	vst v63  }
0x1d: {  	_ =	swait.ge [sflag:s17], $0x1400  }
0x1e: {  	[sflag:s17] =	ssyncset.done $0x0  }
0x1f: {  	s31 =	simm.s32 $0x100;
	[sflag:s17] =	ssyncadd.s32 $0xFFFFEC00  }
0x20: {  	[tilespmem:s12], [sflag:$0x1] =	stream.indirect.gather [hbm4b:s2+s11], $0x80, s31, s11, $0xb8;
	[tilespmem:$0x6800] =	vst v63  }
0x21: {  	_ =	swait.ge [sflag:s13], $0x1400  }
0x22: {  	[sflag:s13] =	ssyncset.done $0x0  }
0x23: {  	s21 =	sadd.s32 $0x500, s21;
	[sflag:s13] =	ssyncadd.s32 $0xFFFFEC00  }
0x24: {  	[hbm4b:s21+s3] =	stream.linear.scatter [tilespmem:s12], [sflag:$0x3], $0x1400, $0x38;
	[tilespmem:$0x6800] =	vst v63  }
0x25: {  	_ =	swait.ge [sflag:s18], $0x1400  }
0x26: {  	s23 =	simm.s32 $0x180;
	[sflag:s18] =	ssyncset.done $0x0  }
0x27: {  	s22 =	simm.s32 $0x200;
	s21 =	simm.s32 $0x500;
	[sflag:s18] =	ssyncadd.s32 $0xFFFFEC00  }
.LBB2_2:
0x28: {  	[tilespmem:s15], [sflag:$0x2] =	stream.indirect.gather [hbm4b:s2+s11], $0x80, s23, s11, $0xb8;
	[tilespmem:$0x6800] =	vst v63  }
0x29: {  	s23 =	smov.u32 s21  }
0x2a: {  	p0 =	sne.s32 s21, $0x12C00;
	s21 =	sadd.s32 $0x500, s21;
	_ =	swait.ge [sflag:s16], $0x1400  }
0x2b: {  	s23 =	sadd.s32 s23, s9;
	[sflag:s16] =	ssyncset.done $0x0  }
0x2c: {  	s24 =	sadd.s32 $0x280, s23;
	[sflag:s16] =	ssyncadd.s32 $0xFFFFEC00  }
0x2d: {  	[hbm4b:s24+s3] =	stream.linear.scatter [tilespmem:s15], [sflag:$0x4], $0x1400, $0x38;
	[tilespmem:$0x6800] =	vst v63  }
0x2e: {  	_ =	swait.ge [sflag:s17], $0x1400  }
0x2f: {  	[sflag:s17] =	ssyncset.done $0x0  }
0x30: {  	[sflag:s17] =	ssyncadd.s32 $0xFFFFEC00  }
0x31: {  	[tilespmem:s12], [sflag:$0x1] =	stream.indirect.gather [hbm4b:s2+s11], $0x80, s22, s11, $0xb8;
	[tilespmem:$0x6800] =	vst v63  }
0x32: {  	_ =	swait.ge [sflag:s13], $0x1400  }
0x33: {  	[sflag:s13] =	ssyncset.done $0x0  }
.Ltmp0:
0x34: {  	s23 =	sadd.s32 $0x500, s23;
	[sflag:s13] =	ssyncadd.s32 $0xFFFFEC00;
	(pc) =	sbr.rel @p0 .LBB2_2-.Ltmp0, $4  }
0x35: {  	[hbm4b:s23+s3] =	stream.linear.scatter [tilespmem:s12], [sflag:$0x3], $0x1400, $0x38;
	[tilespmem:$0x6800] =	vst v63  }
0x36: {  	_ =	swait.ge [sflag:s18], $0x1400  }
0x37: {  	[sflag:s18] =	ssyncset.done $0x0  }
0x38: {  	s23 =	sadd.s32 $0x80, s22;
	s22 =	sadd.s32 $0x100, s22;
	[sflag:s18] =	ssyncadd.s32 $0xFFFFEC00  }
0x39: {  	[tilespmem:s15], [sflag:$0x2] =	stream.indirect.gather [hbm4b:s2+s11], $0x80, s23, s11, $0xb8;
	[tilespmem:$0x6800] =	vst v63  }
0x3a: {  	_ =	swait.ge [sflag:s16], $0x1400  }
0x3b: {  	[sflag:s16] =	ssyncset.done $0x0  }
0x3c: {  	[sflag:s16] =	ssyncadd.s32 $0xFFFFEC00  }
0x3d: {  	[hbm4b:s7+s3] =	stream.linear.scatter [tilespmem:s15], [sflag:$0x4], $0x1400, $0x38;
	[tilespmem:$0x6800] =	vst v63  }
0x3e: {  	_ =	swait.ge [sflag:s17], $0x1400  }
0x3f: {  	[sflag:s17] =	ssyncset.done $0x0  }
0x40: {  	[sflag:s17] =	ssyncadd.s32 $0xFFFFEC00  }
0x41: {  	[tilespmem:s12], [sflag:$0x1] =	stream.indirect.gather [hbm4b:s2+s11], $0x80, s19, s11, $0xb8;
	[tilespmem:$0x6800] =	vst v63  }
0x42: {  	_ =	swait.ge [sflag:s13], $0x1400  }
0x43: {  	[sflag:s13] =	ssyncset.done $0x0  }
0x44: {  	s20 =	sadd.s32 $0x1, s20;
	[sflag:s13] =	ssyncadd.s32 $0xFFFFEC00  }
0x45: {  	[hbm4b:s8+s3] =	stream.linear.scatter [tilespmem:s12], [sflag:$0x3], $0x1400, $0x38;
	[tilespmem:$0x6800] =	vst v63  }
0x46: {  	p0 =	sne.s32 s20, s6;
	_ =	swait.ge [sflag:s18], $0x1400  }
.Ltmp1:
0x47: {  	[sflag:s18] =	ssyncset.done $0x0;
	(pc) =	sbr.rel @p0 .LBB2_1-.Ltmp1, $4  }
0x48: {  	[sflag:s18] =	ssyncadd.s32 $0xFFFFEC00  }
0x49: {  	_ =	swait.ge [sflag:s17], $0x1400  }
0x4a: {  	[sflag:s17] =	ssyncset.done $0x0  }
0x4b: {  	[sflag:s17] =	ssyncadd.s32 $0xFFFFEC00  }
0x4c: {  	_ =	sfence.sel $0x180000  }
0x4d: {  	[bflag:$0x0] =	sbarrier.arrive $0xFFFF  }
0x4e: {  	p0 =	sne.s32 s0, $0x0;
	_ =	strace $0x9000004A  }
0x4f: {  	s0 =	sadd.s32 @!p0 $0x100000, s1;
	[bflag:$0x2] =	sbarrier.arrive $0xFFFF  }
0x50: {  	[sflag:s0] =	ssyncadd.tile.s32 @!p0 $0x1;
	_ =	shalt  }
.Lfunc_end2:
_tile_overlayer_lowered:
.L_overlay_start_2:
0x51: {  	(tag) =	ssettag $0x2  }
0x52: {  	s0 =	rddreg [dreg:$0x0];
	s2 =	stileid.u32  }
0x53: {  	s1 =	rddreg [dreg:$0x1];
	p0 =	sne.s32 s2, $0x0  }
0x54: {  	s3 =	rddreg [dreg:$0x2];
	[bflag:$0x3] =	sbarrier.arrive $0xFFFF;
	s2 =	simm.s32 @!p0 $0x1C05  }
0x55: {  	[timem:s3], [sflag:s2] =	dma.local @!p0 [hbm:s0], s1  }
0x56: {  	s0 =	simm.s32 @!p0 $0x5  }
0x57: {  	_ =	swait.ge @!p0 [sflag:s0], s1  }
0x58: {  	s1 =	ssub.s32 @!p0 $0x0, s1;
	[sflag:s0] =	ssyncset.done @!p0 $0x0  }
0x59: {  	[sflag:s0] =	ssyncadd.s32 @!p0 s1  }
0x5a: {  	[bflag:$0x3] =	sbarrier.arrive $0xFFFF  }
0x5b: {  	_ =	shalt  }

</sc_bundles>
